<compile_context>
chip_gen: v7x
topology: tpu7x:2x2x1
jax: 0.10.2.dev20260603
libtpu: 0.0.44.dev20260713+nightly
codegen_flags: <defaults>
</compile_context>

<pallas_src>
import functools

import jax
import jax.numpy as jnp
from jax import lax
from jax.experimental import pallas as pl
from jax.experimental.pallas import tpu as pltpu
from jax.experimental.pallas import tpu_sc as plsc


def kernel(indices, table):
    B, S = indices.shape
    V, D = table.shape
    N = B * S

    info = plsc.get_sparse_core_info()
    NC, NS = info.num_cores, info.num_subcores
    NW = NC * NS
    CHUNK = 128
    NBUF = 4
    NSP = 2
    assert N % (NW * CHUNK) == 0
    n_chunks = N // (NW * CHUNK)
    assert n_chunks % NBUF == 0 and n_chunks >= 3 * NBUF

    idx3 = indices.reshape(NW, n_chunks, CHUNK)

    mesh = plsc.VectorSubcoreMesh(core_axis_name="c", subcore_axis_name="s")

    @functools.partial(
        pl.kernel,
        mesh=mesh,
        out_type=jax.ShapeDtypeStruct((N, D), jnp.float32),
        scratch_types=(
            [pltpu.VMEM((n_chunks, CHUNK), jnp.int32)]
            + [pltpu.VMEM((CHUNK, D), jnp.float32)] * NBUF
            + [pltpu.VMEM_SHARED((NS, NSP, CHUNK, D), jnp.float32)]
            + [pltpu.SemaphoreType.DMA] * (NBUF + 2 * NSP)
        ),
    )
    def sc_gather(idx_hbm, table_hbm, out_hbm, idx_v, *rest):
        rows = rest[:NBUF]
        sp = rest[NBUF]
        gsem = rest[NBUF + 1:2 * NBUF + 1]
        csem = rest[2 * NBUF + 1:2 * NBUF + 1 + NSP]
        wsem = rest[2 * NBUF + 1 + NSP:]
        sid = lax.axis_index("s")
        wid = sid * NC + lax.axis_index("c")
        base = wid * (n_chunks * CHUNK)
        pltpu.sync_copy(idx_hbm.at[wid], idx_v)

        def gather(j, b):
            return pltpu.make_async_copy(
                table_hbm.at[idx_v.at[j]], rows[b], gsem[b])

        def xbar(b, p):
            return pltpu.make_async_copy(rows[b], sp.at[sid, p], csem[p])

        def write(j, p):
            return pltpu.make_async_copy(
                sp.at[sid, p], out_hbm.at[pl.ds(base + j * CHUNK, CHUNK)],
                wsem[p])

        def step(j, b, p):
            gather(j, b).wait()
            write(j - NSP, p).wait()
            xbar(b, p).start()
            xbar(b, p).wait()
            write(j, p).start()
            gather(j + NBUF, b).start()

        for j in range(NBUF):
            gather(j, j).start()
        for j in range(NBUF):
            b, p = j, j % NSP
            gather(j, b).wait()
            if j >= NSP:
                write(j - NSP, p).wait()
            xbar(b, p).start()
            xbar(b, p).wait()
            write(j, p).start()
            gather(j + NBUF, b).start()

        def body(g, carry):
            j0 = NBUF * g
            for b in range(NBUF):
                step(j0 + b, b, b % NSP)
            return carry

        lax.fori_loop(1, n_chunks // NBUF - 1, body, 0)

        for j in range(n_chunks - NBUF, n_chunks):
            b, p = j % NBUF, j % NSP
            gather(j, b).wait()
            write(j - NSP, p).wait()
            xbar(b, p).start()
            xbar(b, p).wait()
            write(j, p).start()
        for j in range(n_chunks - NSP, n_chunks):
            write(j, j % NSP).wait()

    out = sc_gather(idx3, table)
    return out.reshape(B, S, D)

# --- scband reference (transcript-rebuilt; emitter-appended) ---
"""Pipeline reference for scband-word-embeddings-41334765257240 (READ-ONLY COPY).

The authoritative reference and input builder live on the scoring server;
editing this copy changes nothing except your own understanding.
"""

import jax, jax.numpy as jnp
import numpy as np

VOCAB = 1000000
EMBED_DIM = 128
BATCH = 4096
SEQ = 200


def setup_inputs(seed: int = 0) -> dict:
    key = jax.random.key(seed)
    k_idx, k_tab = jax.random.split(key)
    # token indices for a batch of tokenized sentences (word-level lookup)
    indices = jax.random.randint(k_idx, (BATCH, SEQ), 0, VOCAB, dtype=jnp.int64 if jax.config.jax_enable_x64 else jnp.int32).astype(jnp.int32)
    # precomputed static word embedding table (e.g., GloVe-like)
    table = jax.random.normal(k_tab, (VOCAB, EMBED_DIM), dtype=jnp.float32)
    return {"indices": indices, "table": table}


def reference(indices, table):
    # WordEmbeddings._add_embeddings_internal: for each token, fetch its
    # precomputed static embedding vector from the table (pure gather).
    # OOV handling (zeros row) is modeled by index 0 being a valid row;
    # math is a faithful row-gather: out[b, t, :] = table[indices[b, t], :]
    out = jnp.take(table, indices, axis=0)
    return out

if __name__ == "__main__":
    import jax
    _d = setup_inputs()
    print(jax.jit(kernel)(*tuple(_d.values())))

</pallas_src>

<mosaic_0001>
#map = affine_map<(d0, d1) -> (0, 0, 0)>
#map1 = affine_map<(d0, d1) -> (0, 0)>
module attributes {stable_mosaic.version = 14 : i64} {
  func.func @sc_gather(%arg0: i32, %arg1: i32, %arg2: memref<32x200x128xi32, #tpu.memory_space<hbm>>, %arg3: memref<1000000x128xf32, #tpu.memory_space<hbm>>, %arg4: memref<819200x128xf32, #tpu.memory_space<hbm>>, %arg5: memref<200x128xi32, #tpu.memory_space<vmem>>, %arg6: memref<128x128xf32, #tpu.memory_space<vmem>>, %arg7: memref<128x128xf32, #tpu.memory_space<vmem>>, %arg8: memref<128x128xf32, #tpu.memory_space<vmem>>, %arg9: memref<128x128xf32, #tpu.memory_space<vmem>>, %arg10: memref<16x2x128x128xf32, #tpu.memory_space<vmem_shared>>, %arg11: memref<!tpu.dma_semaphore, #tpu.memory_space<semaphore_mem>>, %arg12: memref<!tpu.dma_semaphore, #tpu.memory_space<semaphore_mem>>, %arg13: memref<!tpu.dma_semaphore, #tpu.memory_space<semaphore_mem>>, %arg14: memref<!tpu.dma_semaphore, #tpu.memory_space<semaphore_mem>>, %arg15: memref<!tpu.dma_semaphore, #tpu.memory_space<semaphore_mem>>, %arg16: memref<!tpu.dma_semaphore, #tpu.memory_space<semaphore_mem>>, %arg17: memref<!tpu.dma_semaphore, #tpu.memory_space<semaphore_mem>>, %arg18: memref<!tpu.dma_semaphore, #tpu.memory_space<semaphore_mem>>) attributes {dimension_semantics = [#tpu.dimension_semantics<core_parallel>, #tpu.dimension_semantics<subcore_parallel>], iteration_bounds = array<i64: 2, 16>, scalar_prefetch = 0 : i64, scratch_operands = 14 : i64, tpu.core_type = #tpu.core_type<sc_vector_subcore>, window_params = [{transform_indices = #map}, {transform_indices = #map1}, {transform_indices = #map1}]} {
    %mul3A = arith.constant 2 : i32
    %mul3A_0 = arith.muli %arg1, %mul3A : i32
    %add3A = arith.addi %mul3A_0, %arg0 : i32
    %mul3A_1 = arith.constant 25600 : i32
    %mul3A_2 = arith.muli %add3A, %mul3A_1 : i32
    "tpu.region"() ({
      %run_scoped3A = tpu.sem_alloc : memref<!tpu.dma_semaphore, #tpu.memory_space<semaphore_mem>>
      %dma_start3A_406 = arith.constant 0 : i32
      %dma_start3A_407 = arith.constant 0 : i32
      %dma_start3A_408 = tpu.memref_slice %arg2[%add3A, %dma_start3A_406, %dma_start3A_407] : memref<32x200x128xi32, #tpu.memory_space<hbm>> -> memref<1x200x128xi32, #tpu.memory_space<hbm>>
      %dma_start3A_409 = tpu.memref_squeeze %dma_start3A_408 : memref<1x200x128xi32, #tpu.memory_space<hbm>> -> memref<200x128xi32, #tpu.memory_space<hbm>>
      %dma_start3A_410 = arith.constant 0 : i32
      %dma_start3A_411 = arith.constant 0 : i32
      %dma_start3A_412 = tpu.memref_slice %arg2[%add3A, %dma_start3A_410, %dma_start3A_411] : memref<32x200x128xi32, #tpu.memory_space<hbm>> -> memref<1x200x128xi32, #tpu.memory_space<hbm>>
      %dma_start3A_413 = tpu.memref_squeeze %dma_start3A_412 : memref<1x200x128xi32, #tpu.memory_space<hbm>> -> memref<200x128xi32, #tpu.memory_space<hbm>>
      tpu.enqueue_dma source(%dma_start3A_413 : memref<200x128xi32, #tpu.memory_space<hbm>>) target(%arg5 : memref<200x128xi32, #tpu.memory_space<vmem>>) target_semaphore(%run_scoped3A : memref<!tpu.dma_semaphore, #tpu.memory_space<semaphore_mem>>)
      %dma_wait3A_414 = arith.constant 0 : i32
      %dma_wait3A_415 = arith.constant 0 : i32
      %dma_wait3A_416 = tpu.memref_slice %arg2[%add3A, %dma_wait3A_414, %dma_wait3A_415] : memref<32x200x128xi32, #tpu.memory_space<hbm>> -> memref<1x200x128xi32, #tpu.memory_space<hbm>>
      %dma_wait3A_417 = tpu.memref_squeeze %dma_wait3A_416 : memref<1x200x128xi32, #tpu.memory_space<hbm>> -> memref<200x128xi32, #tpu.memory_space<hbm>>
      %dma_wait3A_418 = arith.constant 0 : i32
      %dma_wait3A_419 = arith.constant 0 : i32
      %dma_wait3A_420 = tpu.memref_slice %arg2[%add3A, %dma_wait3A_418, %dma_wait3A_419] : memref<32x200x128xi32, #tpu.memory_space<hbm>> -> memref<1x200x128xi32, #tpu.memory_space<hbm>>
      %dma_wait3A_421 = tpu.memref_squeeze %dma_wait3A_420 : memref<1x200x128xi32, #tpu.memory_space<hbm>> -> memref<200x128xi32, #tpu.memory_space<hbm>>
      tpu.wait_dma2 semaphore(%run_scoped3A : memref<!tpu.dma_semaphore, #tpu.memory_space<semaphore_mem>>) src(%dma_wait3A_421 : memref<200x128xi32, #tpu.memory_space<hbm>>) dst(%arg5 : memref<200x128xi32, #tpu.memory_space<vmem>>)
      tpu.yield
    }) : () -> ()
    %dma_start3A = arith.constant 0 : i32
    %dma_start3A_3 = arith.constant 0 : i32
    %dma_start3A_4 = tpu.memref_slice %arg5[%dma_start3A, %dma_start3A_3] : memref<200x128xi32, #tpu.memory_space<vmem>> -> memref<1x128xi32, #tpu.memory_space<vmem>>
    %dma_start3A_5 = tpu.memref_squeeze %dma_start3A_4 : memref<1x128xi32, #tpu.memory_space<vmem>> -> memref<128xi32, #tpu.memory_space<vmem>>
    %dma_start3A_6 = arith.constant 0 : i32
    %dma_start3A_7 = arith.constant 0 : i32
    %dma_start3A_8 = tpu.memref_slice %arg3[%dma_start3A_6, %dma_start3A_7] : memref<1000000x128xf32, #tpu.memory_space<hbm>> -> memref<1000000x128xf32, #tpu.memory_space<hbm>>
    tpu.enqueue_indirect_dma source(%dma_start3A_8 : memref<1000000x128xf32, #tpu.memory_space<hbm>>) target(%arg6 : memref<128x128xf32, #tpu.memory_space<vmem>>) offsets(%dma_start3A_5 : memref<128xi32, #tpu.memory_space<vmem>>) semaphore(%arg11 : memref<!tpu.dma_semaphore, #tpu.memory_space<semaphore_mem>>)
    %dma_start3A_9 = arith.constant 1 : i32
    %dma_start3A_10 = arith.constant 0 : i32
    %dma_start3A_11 = tpu.memref_slice %arg5[%dma_start3A_9, %dma_start3A_10] : memref<200x128xi32, #tpu.memory_space<vmem>> -> memref<1x128xi32, #tpu.memory_space<vmem>>
    %dma_start3A_12 = tpu.memref_squeeze %dma_start3A_11 : memref<1x128xi32, #tpu.memory_space<vmem>> -> memref<128xi32, #tpu.memory_space<vmem>>
    %dma_start3A_13 = arith.constant 0 : i32
    %dma_start3A_14 = arith.constant 0 : i32
    %dma_start3A_15 = tpu.memref_slice %arg3[%dma_start3A_13, %dma_start3A_14] : memref<1000000x128xf32, #tpu.memory_space<hbm>> -> memref<1000000x128xf32, #tpu.memory_space<hbm>>
    tpu.enqueue_indirect_dma source(%dma_start3A_15 : memref<1000000x128xf32, #tpu.memory_space<hbm>>) target(%arg7 : memref<128x128xf32, #tpu.memory_space<vmem>>) offsets(%dma_start3A_12 : memref<128xi32, #tpu.memory_space<vmem>>) semaphore(%arg12 : memref<!tpu.dma_semaphore, #tpu.memory_space<semaphore_mem>>)
    %dma_start3A_16 = arith.constant 2 : i32
    %dma_start3A_17 = arith.constant 0 : i32
    %dma_start3A_18 = tpu.memref_slice %arg5[%dma_start3A_16, %dma_start3A_17] : memref<200x128xi32, #tpu.memory_space<vmem>> -> memref<1x128xi32, #tpu.memory_space<vmem>>
    %dma_start3A_19 = tpu.memref_squeeze %dma_start3A_18 : memref<1x128xi32, #tpu.memory_space<vmem>> -> memref<128xi32, #tpu.memory_space<vmem>>
    %dma_start3A_20 = arith.constant 0 : i32
    %dma_start3A_21 = arith.constant 0 : i32
    %dma_start3A_22 = tpu.memref_slice %arg3[%dma_start3A_20, %dma_start3A_21] : memref<1000000x128xf32, #tpu.memory_space<hbm>> -> memref<1000000x128xf32, #tpu.memory_space<hbm>>
    tpu.enqueue_indirect_dma source(%dma_start3A_22 : memref<1000000x128xf32, #tpu.memory_space<hbm>>) target(%arg8 : memref<128x128xf32, #tpu.memory_space<vmem>>) offsets(%dma_start3A_19 : memref<128xi32, #tpu.memory_space<vmem>>) semaphore(%arg13 : memref<!tpu.dma_semaphore, #tpu.memory_space<semaphore_mem>>)
    %dma_start3A_23 = arith.constant 3 : i32
    %dma_start3A_24 = arith.constant 0 : i32
    %dma_start3A_25 = tpu.memref_slice %arg5[%dma_start3A_23, %dma_start3A_24] : memref<200x128xi32, #tpu.memory_space<vmem>> -> memref<1x128xi32, #tpu.memory_space<vmem>>
    %dma_start3A_26 = tpu.memref_squeeze %dma_start3A_25 : memref<1x128xi32, #tpu.memory_space<vmem>> -> memref<128xi32, #tpu.memory_space<vmem>>
    %dma_start3A_27 = arith.constant 0 : i32
    %dma_start3A_28 = arith.constant 0 : i32
    %dma_start3A_29 = tpu.memref_slice %arg3[%dma_start3A_27, %dma_start3A_28] : memref<1000000x128xf32, #tpu.memory_space<hbm>> -> memref<1000000x128xf32, #tpu.memory_space<hbm>>
    tpu.enqueue_indirect_dma source(%dma_start3A_29 : memref<1000000x128xf32, #tpu.memory_space<hbm>>) target(%arg9 : memref<128x128xf32, #tpu.memory_space<vmem>>) offsets(%dma_start3A_26 : memref<128xi32, #tpu.memory_space<vmem>>) semaphore(%arg14 : memref<!tpu.dma_semaphore, #tpu.memory_space<semaphore_mem>>)
    %dma_wait3A = arith.constant 0 : i32
    %dma_wait3A_30 = arith.constant 0 : i32
    %dma_wait3A_31 = tpu.memref_slice %arg5[%dma_wait3A, %dma_wait3A_30] : memref<200x128xi32, #tpu.memory_space<vmem>> -> memref<1x128xi32, #tpu.memory_space<vmem>>
    %dma_wait3A_32 = tpu.memref_squeeze %dma_wait3A_31 : memref<1x128xi32, #tpu.memory_space<vmem>> -> memref<128xi32, #tpu.memory_space<vmem>>
    %dma_wait3A_33 = arith.constant 0 : i32
    %dma_wait3A_34 = arith.constant 0 : i32
    %dma_wait3A_35 = tpu.memref_slice %arg3[%dma_wait3A_33, %dma_wait3A_34] : memref<1000000x128xf32, #tpu.memory_space<hbm>> -> memref<1000000x128xf32, #tpu.memory_space<hbm>>
    tpu.wait_indirect_dma semaphore(%arg11 : memref<!tpu.dma_semaphore, #tpu.memory_space<semaphore_mem>>) src(%dma_wait3A_35 : memref<1000000x128xf32, #tpu.memory_space<hbm>>) dst(%arg6 : memref<128x128xf32, #tpu.memory_space<vmem>>)
    %dma_start3A_36 = arith.constant 0 : i32
    %dma_start3A_37 = arith.constant 0 : i32
    %dma_start3A_38 = arith.constant 0 : i32
    %dma_start3A_39 = tpu.memref_slice %arg10[%arg1, %dma_start3A_36, %dma_start3A_37, %dma_start3A_38] : memref<16x2x128x128xf32, #tpu.memory_space<vmem_shared>> -> memref<1x1x128x128xf32, #tpu.memory_space<vmem_shared>>
    %dma_start3A_40 = tpu.memref_squeeze %dma_start3A_39 : memref<1x1x128x128xf32, #tpu.memory_space<vmem_shared>> -> memref<128x128xf32, #tpu.memory_space<vmem_shared>>
    %dma_start3A_41 = arith.constant 0 : i32
    %dma_start3A_42 = arith.constant 0 : i32
    %dma_start3A_43 = tpu.memref_slice %arg10[%arg1, %dma_start3A_36, %dma_start3A_41, %dma_start3A_42] : memref<16x2x128x128xf32, #tpu.memory_space<vmem_shared>> -> memref<1x1x128x128xf32, #tpu.memory_space<vmem_shared>>
    %dma_start3A_44 = tpu.memref_squeeze %dma_start3A_43 : memref<1x1x128x128xf32, #tpu.memory_space<vmem_shared>> -> memref<128x128xf32, #tpu.memory_space<vmem_shared>>
    tpu.enqueue_dma source(%arg6 : memref<128x128xf32, #tpu.memory_space<vmem>>) target(%dma_start3A_44 : memref<128x128xf32, #tpu.memory_space<vmem_shared>>) target_semaphore(%arg15 : memref<!tpu.dma_semaphore, #tpu.memory_space<semaphore_mem>>)
    %dma_wait3A_45 = arith.constant 0 : i32
    %dma_wait3A_46 = arith.constant 0 : i32
    %dma_wait3A_47 = arith.constant 0 : i32
    %dma_wait3A_48 = tpu.memref_slice %arg10[%arg1, %dma_wait3A_45, %dma_wait3A_46, %dma_wait3A_47] : memref<16x2x128x128xf32, #tpu.memory_space<vmem_shared>> -> memref<1x1x128x128xf32, #tpu.memory_space<vmem_shared>>
    %dma_wait3A_49 = tpu.memref_squeeze %dma_wait3A_48 : memref<1x1x128x128xf32, #tpu.memory_space<vmem_shared>> -> memref<128x128xf32, #tpu.memory_space<vmem_shared>>
    %dma_wait3A_50 = arith.constant 0 : i32
    %dma_wait3A_51 = arith.constant 0 : i32
    %dma_wait3A_52 = tpu.memref_slice %arg10[%arg1, %dma_wait3A_45, %dma_wait3A_50, %dma_wait3A_51] : memref<16x2x128x128xf32, #tpu.memory_space<vmem_shared>> -> memref<1x1x128x128xf32, #tpu.memory_space<vmem_shared>>
    %dma_wait3A_53 = tpu.memref_squeeze %dma_wait3A_52 : memref<1x1x128x128xf32, #tpu.memory_space<vmem_shared>> -> memref<128x128xf32, #tpu.memory_space<vmem_shared>>
    tpu.wait_dma2 semaphore(%arg15 : memref<!tpu.dma_semaphore, #tpu.memory_space<semaphore_mem>>) src(%arg6 : memref<128x128xf32, #tpu.memory_space<vmem>>) dst(%dma_wait3A_53 : memref<128x128xf32, #tpu.memory_space<vmem_shared>>)
    %add3A_54 = arith.constant 0 : i32
    %add3A_55 = arith.addi %mul3A_2, %add3A_54 : i32
    %dma_start3A_56 = arith.constant 0 : i32
    %dma_start3A_57 = arith.constant 0 : i32
    %dma_start3A_58 = tpu.memref_slice %arg4[%add3A_55, %dma_start3A_57] : memref<819200x128xf32, #tpu.memory_space<hbm>> -> memref<128x128xf32, #tpu.memory_space<hbm>>
    %dma_start3A_59 = arith.constant 0 : i32
    %dma_start3A_60 = arith.constant 0 : i32
    %dma_start3A_61 = tpu.memref_slice %arg10[%arg1, %dma_start3A_56, %dma_start3A_59, %dma_start3A_60] : memref<16x2x128x128xf32, #tpu.memory_space<vmem_shared>> -> memref<1x1x128x128xf32, #tpu.memory_space<vmem_shared>>
    %dma_start3A_62 = tpu.memref_squeeze %dma_start3A_61 : memref<1x1x128x128xf32, #tpu.memory_space<vmem_shared>> -> memref<128x128xf32, #tpu.memory_space<vmem_shared>>
    tpu.enqueue_dma source(%dma_start3A_62 : memref<128x128xf32, #tpu.memory_space<vmem_shared>>) target(%dma_start3A_58 : memref<128x128xf32, #tpu.memory_space<hbm>>) target_semaphore(%arg17 : memref<!tpu.dma_semaphore, #tpu.memory_space<semaphore_mem>>)
    %dma_start3A_63 = arith.constant 4 : i32
    %dma_start3A_64 = arith.constant 0 : i32
    %dma_start3A_65 = tpu.memref_slice %arg5[%dma_start3A_63, %dma_start3A_64] : memref<200x128xi32, #tpu.memory_space<vmem>> -> memref<1x128xi32, #tpu.memory_space<vmem>>
    %dma_start3A_66 = tpu.memref_squeeze %dma_start3A_65 : memref<1x128xi32, #tpu.memory_space<vmem>> -> memref<128xi32, #tpu.memory_space<vmem>>
    %dma_start3A_67 = arith.constant 0 : i32
    %dma_start3A_68 = arith.constant 0 : i32
    %dma_start3A_69 = tpu.memref_slice %arg3[%dma_start3A_67, %dma_start3A_68] : memref<1000000x128xf32, #tpu.memory_space<hbm>> -> memref<1000000x128xf32, #tpu.memory_space<hbm>>
    tpu.enqueue_indirect_dma source(%dma_start3A_69 : memref<1000000x128xf32, #tpu.memory_space<hbm>>) target(%arg6 : memref<128x128xf32, #tpu.memory_space<vmem>>) offsets(%dma_start3A_66 : memref<128xi32, #tpu.memory_space<vmem>>) semaphore(%arg11 : memref<!tpu.dma_semaphore, #tpu.memory_space<semaphore_mem>>)
    %dma_wait3A_70 = arith.constant 1 : i32
    %dma_wait3A_71 = arith.constant 0 : i32
    %dma_wait3A_72 = tpu.memref_slice %arg5[%dma_wait3A_70, %dma_wait3A_71] : memref<200x128xi32, #tpu.memory_space<vmem>> -> memref<1x128xi32, #tpu.memory_space<vmem>>
    %dma_wait3A_73 = tpu.memref_squeeze %dma_wait3A_72 : memref<1x128xi32, #tpu.memory_space<vmem>> -> memref<128xi32, #tpu.memory_space<vmem>>
    %dma_wait3A_74 = arith.constant 0 : i32
    %dma_wait3A_75 = arith.constant 0 : i32
    %dma_wait3A_76 = tpu.memref_slice %arg3[%dma_wait3A_74, %dma_wait3A_75] : memref<1000000x128xf32, #tpu.memory_space<hbm>> -> memref<1000000x128xf32, #tpu.memory_space<hbm>>
    tpu.wait_indirect_dma semaphore(%arg12 : memref<!tpu.dma_semaphore, #tpu.memory_space<semaphore_mem>>) src(%dma_wait3A_76 : memref<1000000x128xf32, #tpu.memory_space<hbm>>) dst(%arg7 : memref<128x128xf32, #tpu.memory_space<vmem>>)
    %dma_start3A_77 = arith.constant 1 : i32
    %dma_start3A_78 = arith.constant 0 : i32
    %dma_start3A_79 = arith.constant 0 : i32
    %dma_start3A_80 = tpu.memref_slice %arg10[%arg1, %dma_start3A_77, %dma_start3A_78, %dma_start3A_79] : memref<16x2x128x128xf32, #tpu.memory_space<vmem_shared>> -> memref<1x1x128x128xf32, #tpu.memory_space<vmem_shared>>
    %dma_start3A_81 = tpu.memref_squeeze %dma_start3A_80 : memref<1x1x128x128xf32, #tpu.memory_space<vmem_shared>> -> memref<128x128xf32, #tpu.memory_space<vmem_shared>>
    %dma_start3A_82 = arith.constant 0 : i32
    %dma_start3A_83 = arith.constant 0 : i32
    %dma_start3A_84 = tpu.memref_slice %arg10[%arg1, %dma_start3A_77, %dma_start3A_82, %dma_start3A_83] : memref<16x2x128x128xf32, #tpu.memory_space<vmem_shared>> -> memref<1x1x128x128xf32, #tpu.memory_space<vmem_shared>>
    %dma_start3A_85 = tpu.memref_squeeze %dma_start3A_84 : memref<1x1x128x128xf32, #tpu.memory_space<vmem_shared>> -> memref<128x128xf32, #tpu.memory_space<vmem_shared>>
    tpu.enqueue_dma source(%arg7 : memref<128x128xf32, #tpu.memory_space<vmem>>) target(%dma_start3A_85 : memref<128x128xf32, #tpu.memory_space<vmem_shared>>) target_semaphore(%arg16 : memref<!tpu.dma_semaphore, #tpu.memory_space<semaphore_mem>>)
    %dma_wait3A_86 = arith.constant 1 : i32
    %dma_wait3A_87 = arith.constant 0 : i32
    %dma_wait3A_88 = arith.constant 0 : i32
    %dma_wait3A_89 = tpu.memref_slice %arg10[%arg1, %dma_wait3A_86, %dma_wait3A_87, %dma_wait3A_88] : memref<16x2x128x128xf32, #tpu.memory_space<vmem_shared>> -> memref<1x1x128x128xf32, #tpu.memory_space<vmem_shared>>
    %dma_wait3A_90 = tpu.memref_squeeze %dma_wait3A_89 : memref<1x1x128x128xf32, #tpu.memory_space<vmem_shared>> -> memref<128x128xf32, #tpu.memory_space<vmem_shared>>
    %dma_wait3A_91 = arith.constant 0 : i32
    %dma_wait3A_92 = arith.constant 0 : i32
    %dma_wait3A_93 = tpu.memref_slice %arg10[%arg1, %dma_wait3A_86, %dma_wait3A_91, %dma_wait3A_92] : memref<16x2x128x128xf32, #tpu.memory_space<vmem_shared>> -> memref<1x1x128x128xf32, #tpu.memory_space<vmem_shared>>
    %dma_wait3A_94 = tpu.memref_squeeze %dma_wait3A_93 : memref<1x1x128x128xf32, #tpu.memory_space<vmem_shared>> -> memref<128x128xf32, #tpu.memory_space<vmem_shared>>
    tpu.wait_dma2 semaphore(%arg16 : memref<!tpu.dma_semaphore, #tpu.memory_space<semaphore_mem>>) src(%arg7 : memref<128x128xf32, #tpu.memory_space<vmem>>) dst(%dma_wait3A_94 : memref<128x128xf32, #tpu.memory_space<vmem_shared>>)
    %add3A_95 = arith.constant 128 : i32
    %add3A_96 = arith.addi %mul3A_2, %add3A_95 : i32
    %dma_start3A_97 = arith.constant 1 : i32
    %dma_start3A_98 = arith.constant 0 : i32
    %dma_start3A_99 = tpu.memref_slice %arg4[%add3A_96, %dma_start3A_98] : memref<819200x128xf32, #tpu.memory_space<hbm>> -> memref<128x128xf32, #tpu.memory_space<hbm>>
    %dma_start3A_100 = arith.constant 0 : i32
    %dma_start3A_101 = arith.constant 0 : i32
    %dma_start3A_102 = tpu.memref_slice %arg10[%arg1, %dma_start3A_97, %dma_start3A_100, %dma_start3A_101] : memref<16x2x128x128xf32, #tpu.memory_space<vmem_shared>> -> memref<1x1x128x128xf32, #tpu.memory_space<vmem_shared>>
    %dma_start3A_103 = tpu.memref_squeeze %dma_start3A_102 : memref<1x1x128x128xf32, #tpu.memory_space<vmem_shared>> -> memref<128x128xf32, #tpu.memory_space<vmem_shared>>
    tpu.enqueue_dma source(%dma_start3A_103 : memref<128x128xf32, #tpu.memory_space<vmem_shared>>) target(%dma_start3A_99 : memref<128x128xf32, #tpu.memory_space<hbm>>) target_semaphore(%arg18 : memref<!tpu.dma_semaphore, #tpu.memory_space<semaphore_mem>>)
    %dma_start3A_104 = arith.constant 5 : i32
    %dma_start3A_105 = arith.constant 0 : i32
    %dma_start3A_106 = tpu.memref_slice %arg5[%dma_start3A_104, %dma_start3A_105] : memref<200x128xi32, #tpu.memory_space<vmem>> -> memref<1x128xi32, #tpu.memory_space<vmem>>
    %dma_start3A_107 = tpu.memref_squeeze %dma_start3A_106 : memref<1x128xi32, #tpu.memory_space<vmem>> -> memref<128xi32, #tpu.memory_space<vmem>>
    %dma_start3A_108 = arith.constant 0 : i32
    %dma_start3A_109 = arith.constant 0 : i32
    %dma_start3A_110 = tpu.memref_slice %arg3[%dma_start3A_108, %dma_start3A_109] : memref<1000000x128xf32, #tpu.memory_space<hbm>> -> memref<1000000x128xf32, #tpu.memory_space<hbm>>
    tpu.enqueue_indirect_dma source(%dma_start3A_110 : memref<1000000x128xf32, #tpu.memory_space<hbm>>) target(%arg7 : memref<128x128xf32, #tpu.memory_space<vmem>>) offsets(%dma_start3A_107 : memref<128xi32, #tpu.memory_space<vmem>>) semaphore(%arg12 : memref<!tpu.dma_semaphore, #tpu.memory_space<semaphore_mem>>)
    %dma_wait3A_111 = arith.constant 2 : i32
    %dma_wait3A_112 = arith.constant 0 : i32
    %dma_wait3A_113 = tpu.memref_slice %arg5[%dma_wait3A_111, %dma_wait3A_112] : memref<200x128xi32, #tpu.memory_space<vmem>> -> memref<1x128xi32, #tpu.memory_space<vmem>>
    %dma_wait3A_114 = tpu.memref_squeeze %dma_wait3A_113 : memref<1x128xi32, #tpu.memory_space<vmem>> -> memref<128xi32, #tpu.memory_space<vmem>>
    %dma_wait3A_115 = arith.constant 0 : i32
    %dma_wait3A_116 = arith.constant 0 : i32
    %dma_wait3A_117 = tpu.memref_slice %arg3[%dma_wait3A_115, %dma_wait3A_116] : memref<1000000x128xf32, #tpu.memory_space<hbm>> -> memref<1000000x128xf32, #tpu.memory_space<hbm>>
    tpu.wait_indirect_dma semaphore(%arg13 : memref<!tpu.dma_semaphore, #tpu.memory_space<semaphore_mem>>) src(%dma_wait3A_117 : memref<1000000x128xf32, #tpu.memory_space<hbm>>) dst(%arg8 : memref<128x128xf32, #tpu.memory_space<vmem>>)
    %add3A_118 = arith.constant 0 : i32
    %add3A_119 = arith.addi %mul3A_2, %add3A_118 : i32
    %dma_wait3A_120 = arith.constant 0 : i32
    %dma_wait3A_121 = arith.constant 0 : i32
    %dma_wait3A_122 = tpu.memref_slice %arg4[%add3A_119, %dma_wait3A_121] : memref<819200x128xf32, #tpu.memory_space<hbm>> -> memref<128x128xf32, #tpu.memory_space<hbm>>
    %dma_wait3A_123 = arith.constant 0 : i32
    %dma_wait3A_124 = arith.constant 0 : i32
    %dma_wait3A_125 = tpu.memref_slice %arg10[%arg1, %dma_wait3A_120, %dma_wait3A_123, %dma_wait3A_124] : memref<16x2x128x128xf32, #tpu.memory_space<vmem_shared>> -> memref<1x1x128x128xf32, #tpu.memory_space<vmem_shared>>
    %dma_wait3A_126 = tpu.memref_squeeze %dma_wait3A_125 : memref<1x1x128x128xf32, #tpu.memory_space<vmem_shared>> -> memref<128x128xf32, #tpu.memory_space<vmem_shared>>
    tpu.wait_dma2 semaphore(%arg17 : memref<!tpu.dma_semaphore, #tpu.memory_space<semaphore_mem>>) src(%dma_wait3A_126 : memref<128x128xf32, #tpu.memory_space<vmem_shared>>) dst(%dma_wait3A_122 : memref<128x128xf32, #tpu.memory_space<hbm>>)
    %dma_start3A_127 = arith.constant 0 : i32
    %dma_start3A_128 = arith.constant 0 : i32
    %dma_start3A_129 = arith.constant 0 : i32
    %dma_start3A_130 = tpu.memref_slice %arg10[%arg1, %dma_start3A_127, %dma_start3A_128, %dma_start3A_129] : memref<16x2x128x128xf32, #tpu.memory_space<vmem_shared>> -> memref<1x1x128x128xf32, #tpu.memory_space<vmem_shared>>
    %dma_start3A_131 = tpu.memref_squeeze %dma_start3A_130 : memref<1x1x128x128xf32, #tpu.memory_space<vmem_shared>> -> memref<128x128xf32, #tpu.memory_space<vmem_shared>>
    %dma_start3A_132 = arith.constant 0 : i32
    %dma_start3A_133 = arith.constant 0 : i32
    %dma_start3A_134 = tpu.memref_slice %arg10[%arg1, %dma_start3A_127, %dma_start3A_132, %dma_start3A_133] : memref<16x2x128x128xf32, #tpu.memory_space<vmem_shared>> -> memref<1x1x128x128xf32, #tpu.memory_space<vmem_shared>>
    %dma_start3A_135 = tpu.memref_squeeze %dma_start3A_134 : memref<1x1x128x128xf32, #tpu.memory_space<vmem_shared>> -> memref<128x128xf32, #tpu.memory_space<vmem_shared>>
    tpu.enqueue_dma source(%arg8 : memref<128x128xf32, #tpu.memory_space<vmem>>) target(%dma_start3A_135 : memref<128x128xf32, #tpu.memory_space<vmem_shared>>) target_semaphore(%arg15 : memref<!tpu.dma_semaphore, #tpu.memory_space<semaphore_mem>>)
    %dma_wait3A_136 = arith.constant 0 : i32
    %dma_wait3A_137 = arith.constant 0 : i32
    %dma_wait3A_138 = arith.constant 0 : i32
    %dma_wait3A_139 = tpu.memref_slice %arg10[%arg1, %dma_wait3A_136, %dma_wait3A_137, %dma_wait3A_138] : memref<16x2x128x128xf32, #tpu.memory_space<vmem_shared>> -> memref<1x1x128x128xf32, #tpu.memory_space<vmem_shared>>
    %dma_wait3A_140 = tpu.memref_squeeze %dma_wait3A_139 : memref<1x1x128x128xf32, #tpu.memory_space<vmem_shared>> -> memref<128x128xf32, #tpu.memory_space<vmem_shared>>
    %dma_wait3A_141 = arith.constant 0 : i32
    %dma_wait3A_142 = arith.constant 0 : i32
    %dma_wait3A_143 = tpu.memref_slice %arg10[%arg1, %dma_wait3A_136, %dma_wait3A_141, %dma_wait3A_142] : memref<16x2x128x128xf32, #tpu.memory_space<vmem_shared>> -> memref<1x1x128x128xf32, #tpu.memory_space<vmem_shared>>
    %dma_wait3A_144 = tpu.memref_squeeze %dma_wait3A_143 : memref<1x1x128x128xf32, #tpu.memory_space<vmem_shared>> -> memref<128x128xf32, #tpu.memory_space<vmem_shared>>
    tpu.wait_dma2 semaphore(%arg15 : memref<!tpu.dma_semaphore, #tpu.memory_space<semaphore_mem>>) src(%arg8 : memref<128x128xf32, #tpu.memory_space<vmem>>) dst(%dma_wait3A_144 : memref<128x128xf32, #tpu.memory_space<vmem_shared>>)
    %add3A_145 = arith.constant 256 : i32
    %add3A_146 = arith.addi %mul3A_2, %add3A_145 : i32
    %dma_start3A_147 = arith.constant 0 : i32
    %dma_start3A_148 = arith.constant 0 : i32
    %dma_start3A_149 = tpu.memref_slice %arg4[%add3A_146, %dma_start3A_148] : memref<819200x128xf32, #tpu.memory_space<hbm>> -> memref<128x128xf32, #tpu.memory_space<hbm>>
    %dma_start3A_150 = arith.constant 0 : i32
    %dma_start3A_151 = arith.constant 0 : i32
    %dma_start3A_152 = tpu.memref_slice %arg10[%arg1, %dma_start3A_147, %dma_start3A_150, %dma_start3A_151] : memref<16x2x128x128xf32, #tpu.memory_space<vmem_shared>> -> memref<1x1x128x128xf32, #tpu.memory_space<vmem_shared>>
    %dma_start3A_153 = tpu.memref_squeeze %dma_start3A_152 : memref<1x1x128x128xf32, #tpu.memory_space<vmem_shared>> -> memref<128x128xf32, #tpu.memory_space<vmem_shared>>
    tpu.enqueue_dma source(%dma_start3A_153 : memref<128x128xf32, #tpu.memory_space<vmem_shared>>) target(%dma_start3A_149 : memref<128x128xf32, #tpu.memory_space<hbm>>) target_semaphore(%arg17 : memref<!tpu.dma_semaphore, #tpu.memory_space<semaphore_mem>>)
    %dma_start3A_154 = arith.constant 6 : i32
    %dma_start3A_155 = arith.constant 0 : i32
    %dma_start3A_156 = tpu.memref_slice %arg5[%dma_start3A_154, %dma_start3A_155] : memref<200x128xi32, #tpu.memory_space<vmem>> -> memref<1x128xi32, #tpu.memory_space<vmem>>
    %dma_start3A_157 = tpu.memref_squeeze %dma_start3A_156 : memref<1x128xi32, #tpu.memory_space<vmem>> -> memref<128xi32, #tpu.memory_space<vmem>>
    %dma_start3A_158 = arith.constant 0 : i32
    %dma_start3A_159 = arith.constant 0 : i32
    %dma_start3A_160 = tpu.memref_slice %arg3[%dma_start3A_158, %dma_start3A_159] : memref<1000000x128xf32, #tpu.memory_space<hbm>> -> memref<1000000x128xf32, #tpu.memory_space<hbm>>
    tpu.enqueue_indirect_dma source(%dma_start3A_160 : memref<1000000x128xf32, #tpu.memory_space<hbm>>) target(%arg8 : memref<128x128xf32, #tpu.memory_space<vmem>>) offsets(%dma_start3A_157 : memref<128xi32, #tpu.memory_space<vmem>>) semaphore(%arg13 : memref<!tpu.dma_semaphore, #tpu.memory_space<semaphore_mem>>)
    %dma_wait3A_161 = arith.constant 3 : i32
    %dma_wait3A_162 = arith.constant 0 : i32
    %dma_wait3A_163 = tpu.memref_slice %arg5[%dma_wait3A_161, %dma_wait3A_162] : memref<200x128xi32, #tpu.memory_space<vmem>> -> memref<1x128xi32, #tpu.memory_space<vmem>>
    %dma_wait3A_164 = tpu.memref_squeeze %dma_wait3A_163 : memref<1x128xi32, #tpu.memory_space<vmem>> -> memref<128xi32, #tpu.memory_space<vmem>>
    %dma_wait3A_165 = arith.constant 0 : i32
    %dma_wait3A_166 = arith.constant 0 : i32
    %dma_wait3A_167 = tpu.memref_slice %arg3[%dma_wait3A_165, %dma_wait3A_166] : memref<1000000x128xf32, #tpu.memory_space<hbm>> -> memref<1000000x128xf32, #tpu.memory_space<hbm>>
    tpu.wait_indirect_dma semaphore(%arg14 : memref<!tpu.dma_semaphore, #tpu.memory_space<semaphore_mem>>) src(%dma_wait3A_167 : memref<1000000x128xf32, #tpu.memory_space<hbm>>) dst(%arg9 : memref<128x128xf32, #tpu.memory_space<vmem>>)
    %add3A_168 = arith.constant 128 : i32
    %add3A_169 = arith.addi %mul3A_2, %add3A_168 : i32
    %dma_wait3A_170 = arith.constant 1 : i32
    %dma_wait3A_171 = arith.constant 0 : i32
    %dma_wait3A_172 = tpu.memref_slice %arg4[%add3A_169, %dma_wait3A_171] : memref<819200x128xf32, #tpu.memory_space<hbm>> -> memref<128x128xf32, #tpu.memory_space<hbm>>
    %dma_wait3A_173 = arith.constant 0 : i32
    %dma_wait3A_174 = arith.constant 0 : i32
    %dma_wait3A_175 = tpu.memref_slice %arg10[%arg1, %dma_wait3A_170, %dma_wait3A_173, %dma_wait3A_174] : memref<16x2x128x128xf32, #tpu.memory_space<vmem_shared>> -> memref<1x1x128x128xf32, #tpu.memory_space<vmem_shared>>
    %dma_wait3A_176 = tpu.memref_squeeze %dma_wait3A_175 : memref<1x1x128x128xf32, #tpu.memory_space<vmem_shared>> -> memref<128x128xf32, #tpu.memory_space<vmem_shared>>
    tpu.wait_dma2 semaphore(%arg18 : memref<!tpu.dma_semaphore, #tpu.memory_space<semaphore_mem>>) src(%dma_wait3A_176 : memref<128x128xf32, #tpu.memory_space<vmem_shared>>) dst(%dma_wait3A_172 : memref<128x128xf32, #tpu.memory_space<hbm>>)
    %dma_start3A_177 = arith.constant 1 : i32
    %dma_start3A_178 = arith.constant 0 : i32
    %dma_start3A_179 = arith.constant 0 : i32
    %dma_start3A_180 = tpu.memref_slice %arg10[%arg1, %dma_start3A_177, %dma_start3A_178, %dma_start3A_179] : memref<16x2x128x128xf32, #tpu.memory_space<vmem_shared>> -> memref<1x1x128x128xf32, #tpu.memory_space<vmem_shared>>
    %dma_start3A_181 = tpu.memref_squeeze %dma_start3A_180 : memref<1x1x128x128xf32, #tpu.memory_space<vmem_shared>> -> memref<128x128xf32, #tpu.memory_space<vmem_shared>>
    %dma_start3A_182 = arith.constant 0 : i32
    %dma_start3A_183 = arith.constant 0 : i32
    %dma_start3A_184 = tpu.memref_slice %arg10[%arg1, %dma_start3A_177, %dma_start3A_182, %dma_start3A_183] : memref<16x2x128x128xf32, #tpu.memory_space<vmem_shared>> -> memref<1x1x128x128xf32, #tpu.memory_space<vmem_shared>>
    %dma_start3A_185 = tpu.memref_squeeze %dma_start3A_184 : memref<1x1x128x128xf32, #tpu.memory_space<vmem_shared>> -> memref<128x128xf32, #tpu.memory_space<vmem_shared>>
    tpu.enqueue_dma source(%arg9 : memref<128x128xf32, #tpu.memory_space<vmem>>) target(%dma_start3A_185 : memref<128x128xf32, #tpu.memory_space<vmem_shared>>) target_semaphore(%arg16 : memref<!tpu.dma_semaphore, #tpu.memory_space<semaphore_mem>>)
    %dma_wait3A_186 = arith.constant 1 : i32
    %dma_wait3A_187 = arith.constant 0 : i32
    %dma_wait3A_188 = arith.constant 0 : i32
    %dma_wait3A_189 = tpu.memref_slice %arg10[%arg1, %dma_wait3A_186, %dma_wait3A_187, %dma_wait3A_188] : memref<16x2x128x128xf32, #tpu.memory_space<vmem_shared>> -> memref<1x1x128x128xf32, #tpu.memory_space<vmem_shared>>
    %dma_wait3A_190 = tpu.memref_squeeze %dma_wait3A_189 : memref<1x1x128x128xf32, #tpu.memory_space<vmem_shared>> -> memref<128x128xf32, #tpu.memory_space<vmem_shared>>
    %dma_wait3A_191 = arith.constant 0 : i32
    %dma_wait3A_192 = arith.constant 0 : i32
    %dma_wait3A_193 = tpu.memref_slice %arg10[%arg1, %dma_wait3A_186, %dma_wait3A_191, %dma_wait3A_192] : memref<16x2x128x128xf32, #tpu.memory_space<vmem_shared>> -> memref<1x1x128x128xf32, #tpu.memory_space<vmem_shared>>
    %dma_wait3A_194 = tpu.memref_squeeze %dma_wait3A_193 : memref<1x1x128x128xf32, #tpu.memory_space<vmem_shared>> -> memref<128x128xf32, #tpu.memory_space<vmem_shared>>
    tpu.wait_dma2 semaphore(%arg16 : memref<!tpu.dma_semaphore, #tpu.memory_space<semaphore_mem>>) src(%arg9 : memref<128x128xf32, #tpu.memory_space<vmem>>) dst(%dma_wait3A_194 : memref<128x128xf32, #tpu.memory_space<vmem_shared>>)
    %add3A_195 = arith.constant 384 : i32
    %add3A_196 = arith.addi %mul3A_2, %add3A_195 : i32
    %dma_start3A_197 = arith.constant 1 : i32
    %dma_start3A_198 = arith.constant 0 : i32
    %dma_start3A_199 = tpu.memref_slice %arg4[%add3A_196, %dma_start3A_198] : memref<819200x128xf32, #tpu.memory_space<hbm>> -> memref<128x128xf32, #tpu.memory_space<hbm>>
    %dma_start3A_200 = arith.constant 0 : i32
    %dma_start3A_201 = arith.constant 0 : i32
    %dma_start3A_202 = tpu.memref_slice %arg10[%arg1, %dma_start3A_197, %dma_start3A_200, %dma_start3A_201] : memref<16x2x128x128xf32, #tpu.memory_space<vmem_shared>> -> memref<1x1x128x128xf32, #tpu.memory_space<vmem_shared>>
    %dma_start3A_203 = tpu.memref_squeeze %dma_start3A_202 : memref<1x1x128x128xf32, #tpu.memory_space<vmem_shared>> -> memref<128x128xf32, #tpu.memory_space<vmem_shared>>
    tpu.enqueue_dma source(%dma_start3A_203 : memref<128x128xf32, #tpu.memory_space<vmem_shared>>) target(%dma_start3A_199 : memref<128x128xf32, #tpu.memory_space<hbm>>) target_semaphore(%arg18 : memref<!tpu.dma_semaphore, #tpu.memory_space<semaphore_mem>>)
    %dma_start3A_204 = arith.constant 7 : i32
    %dma_start3A_205 = arith.constant 0 : i32
    %dma_start3A_206 = tpu.memref_slice %arg5[%dma_start3A_204, %dma_start3A_205] : memref<200x128xi32, #tpu.memory_space<vmem>> -> memref<1x128xi32, #tpu.memory_space<vmem>>
    %dma_start3A_207 = tpu.memref_squeeze %dma_start3A_206 : memref<1x128xi32, #tpu.memory_space<vmem>> -> memref<128xi32, #tpu.memory_space<vmem>>
    %dma_start3A_208 = arith.constant 0 : i32
    %dma_start3A_209 = arith.constant 0 : i32
    %dma_start3A_210 = tpu.memref_slice %arg3[%dma_start3A_208, %dma_start3A_209] : memref<1000000x128xf32, #tpu.memory_space<hbm>> -> memref<1000000x128xf32, #tpu.memory_space<hbm>>
    tpu.enqueue_indirect_dma source(%dma_start3A_210 : memref<1000000x128xf32, #tpu.memory_space<hbm>>) target(%arg9 : memref<128x128xf32, #tpu.memory_space<vmem>>) offsets(%dma_start3A_207 : memref<128xi32, #tpu.memory_space<vmem>>) semaphore(%arg14 : memref<!tpu.dma_semaphore, #tpu.memory_space<semaphore_mem>>)
    %scan3A = arith.constant 0 : i32
    %scan3A_211 = arith.constant 1 : i32
    %scan3A_212 = arith.constant 48 : i32
    %scan3A_213 = arith.addi %scan3A_211, %scan3A_212 : i32
    %scan3A_214 = arith.constant 1 : i32
    scf.for %scan3A_406 = %scan3A_211 to %scan3A_213 step %scan3A_214  : i32 {
      %mul3A_407 = arith.constant 4 : i32
      %mul3A_408 = arith.muli %mul3A_407, %scan3A_406 : i32
      %add3A_409 = arith.constant 0 : i32
      %add3A_410 = arith.addi %mul3A_408, %add3A_409 : i32
      %dma_wait3A_411 = arith.constant 0 : i32
      %dma_wait3A_412 = tpu.memref_slice %arg5[%add3A_410, %dma_wait3A_411] : memref<200x128xi32, #tpu.memory_space<vmem>> -> memref<1x128xi32, #tpu.memory_space<vmem>>
      %dma_wait3A_413 = tpu.memref_squeeze %dma_wait3A_412 : memref<1x128xi32, #tpu.memory_space<vmem>> -> memref<128xi32, #tpu.memory_space<vmem>>
      %dma_wait3A_414 = arith.constant 0 : i32
      %dma_wait3A_415 = arith.constant 0 : i32
      %dma_wait3A_416 = tpu.memref_slice %arg3[%dma_wait3A_414, %dma_wait3A_415] : memref<1000000x128xf32, #tpu.memory_space<hbm>> -> memref<1000000x128xf32, #tpu.memory_space<hbm>>
      tpu.wait_indirect_dma semaphore(%arg11 : memref<!tpu.dma_semaphore, #tpu.memory_space<semaphore_mem>>) src(%dma_wait3A_416 : memref<1000000x128xf32, #tpu.memory_space<hbm>>) dst(%arg6 : memref<128x128xf32, #tpu.memory_space<vmem>>)
      %sub3A = arith.constant 2 : i32
      %sub3A_417 = arith.subi %add3A_410, %sub3A : i32
      %mul3A_418 = arith.constant 128 : i32
      %mul3A_419 = arith.muli %sub3A_417, %mul3A_418 : i32
      %add3A_420 = arith.addi %mul3A_2, %mul3A_419 : i32
      %dma_wait3A_421 = arith.constant 0 : i32
      %dma_wait3A_422 = arith.constant 0 : i32
      %dma_wait3A_423 = tpu.memref_slice %arg4[%add3A_420, %dma_wait3A_422] : memref<819200x128xf32, #tpu.memory_space<hbm>> -> memref<128x128xf32, #tpu.memory_space<hbm>>
      %dma_wait3A_424 = arith.constant 0 : i32
      %dma_wait3A_425 = arith.constant 0 : i32
      %dma_wait3A_426 = tpu.memref_slice %arg10[%arg1, %dma_wait3A_421, %dma_wait3A_424, %dma_wait3A_425] : memref<16x2x128x128xf32, #tpu.memory_space<vmem_shared>> -> memref<1x1x128x128xf32, #tpu.memory_space<vmem_shared>>
      %dma_wait3A_427 = tpu.memref_squeeze %dma_wait3A_426 : memref<1x1x128x128xf32, #tpu.memory_space<vmem_shared>> -> memref<128x128xf32, #tpu.memory_space<vmem_shared>>
      tpu.wait_dma2 semaphore(%arg17 : memref<!tpu.dma_semaphore, #tpu.memory_space<semaphore_mem>>) src(%dma_wait3A_427 : memref<128x128xf32, #tpu.memory_space<vmem_shared>>) dst(%dma_wait3A_423 : memref<128x128xf32, #tpu.memory_space<hbm>>)
      %dma_start3A_428 = arith.constant 0 : i32
      %dma_start3A_429 = arith.constant 0 : i32
      %dma_start3A_430 = arith.constant 0 : i32
      %dma_start3A_431 = tpu.memref_slice %arg10[%arg1, %dma_start3A_428, %dma_start3A_429, %dma_start3A_430] : memref<16x2x128x128xf32, #tpu.memory_space<vmem_shared>> -> memref<1x1x128x128xf32, #tpu.memory_space<vmem_shared>>
      %dma_start3A_432 = tpu.memref_squeeze %dma_start3A_431 : memref<1x1x128x128xf32, #tpu.memory_space<vmem_shared>> -> memref<128x128xf32, #tpu.memory_space<vmem_shared>>
      %dma_start3A_433 = arith.constant 0 : i32
      %dma_start3A_434 = arith.constant 0 : i32
      %dma_start3A_435 = tpu.memref_slice %arg10[%arg1, %dma_start3A_428, %dma_start3A_433, %dma_start3A_434] : memref<16x2x128x128xf32, #tpu.memory_space<vmem_shared>> -> memref<1x1x128x128xf32, #tpu.memory_space<vmem_shared>>
      %dma_start3A_436 = tpu.memref_squeeze %dma_start3A_435 : memref<1x1x128x128xf32, #tpu.memory_space<vmem_shared>> -> memref<128x128xf32, #tpu.memory_space<vmem_shared>>
      tpu.enqueue_dma source(%arg6 : memref<128x128xf32, #tpu.memory_space<vmem>>) target(%dma_start3A_436 : memref<128x128xf32, #tpu.memory_space<vmem_shared>>) target_semaphore(%arg15 : memref<!tpu.dma_semaphore, #tpu.memory_space<semaphore_mem>>)
      %dma_wait3A_437 = arith.constant 0 : i32
      %dma_wait3A_438 = arith.constant 0 : i32
      %dma_wait3A_439 = arith.constant 0 : i32
      %dma_wait3A_440 = tpu.memref_slice %arg10[%arg1, %dma_wait3A_437, %dma_wait3A_438, %dma_wait3A_439] : memref<16x2x128x128xf32, #tpu.memory_space<vmem_shared>> -> memref<1x1x128x128xf32, #tpu.memory_space<vmem_shared>>
      %dma_wait3A_441 = tpu.memref_squeeze %dma_wait3A_440 : memref<1x1x128x128xf32, #tpu.memory_space<vmem_shared>> -> memref<128x128xf32, #tpu.memory_space<vmem_shared>>
      %dma_wait3A_442 = arith.constant 0 : i32
      %dma_wait3A_443 = arith.constant 0 : i32
      %dma_wait3A_444 = tpu.memref_slice %arg10[%arg1, %dma_wait3A_437, %dma_wait3A_442, %dma_wait3A_443] : memref<16x2x128x128xf32, #tpu.memory_space<vmem_shared>> -> memref<1x1x128x128xf32, #tpu.memory_space<vmem_shared>>
      %dma_wait3A_445 = tpu.memref_squeeze %dma_wait3A_444 : memref<1x1x128x128xf32, #tpu.memory_space<vmem_shared>> -> memref<128x128xf32, #tpu.memory_space<vmem_shared>>
      tpu.wait_dma2 semaphore(%arg15 : memref<!tpu.dma_semaphore, #tpu.memory_space<semaphore_mem>>) src(%arg6 : memref<128x128xf32, #tpu.memory_space<vmem>>) dst(%dma_wait3A_445 : memref<128x128xf32, #tpu.memory_space<vmem_shared>>)
      %mul3A_446 = arith.constant 128 : i32
      %mul3A_447 = arith.muli %add3A_410, %mul3A_446 : i32
      %add3A_448 = arith.addi %mul3A_2, %mul3A_447 : i32
      %dma_start3A_449 = arith.constant 0 : i32
      %dma_start3A_450 = arith.constant 0 : i32
      %dma_start3A_451 = tpu.memref_slice %arg4[%add3A_448, %dma_start3A_450] : memref<819200x128xf32, #tpu.memory_space<hbm>> -> memref<128x128xf32, #tpu.memory_space<hbm>>
      %dma_start3A_452 = arith.constant 0 : i32
      %dma_start3A_453 = arith.constant 0 : i32
      %dma_start3A_454 = tpu.memref_slice %arg10[%arg1, %dma_start3A_449, %dma_start3A_452, %dma_start3A_453] : memref<16x2x128x128xf32, #tpu.memory_space<vmem_shared>> -> memref<1x1x128x128xf32, #tpu.memory_space<vmem_shared>>
      %dma_start3A_455 = tpu.memref_squeeze %dma_start3A_454 : memref<1x1x128x128xf32, #tpu.memory_space<vmem_shared>> -> memref<128x128xf32, #tpu.memory_space<vmem_shared>>
      tpu.enqueue_dma source(%dma_start3A_455 : memref<128x128xf32, #tpu.memory_space<vmem_shared>>) target(%dma_start3A_451 : memref<128x128xf32, #tpu.memory_space<hbm>>) target_semaphore(%arg17 : memref<!tpu.dma_semaphore, #tpu.memory_space<semaphore_mem>>)
      %add3A_456 = arith.constant 4 : i32
      %add3A_457 = arith.addi %add3A_410, %add3A_456 : i32
      %dma_start3A_458 = arith.constant 0 : i32
      %dma_start3A_459 = tpu.memref_slice %arg5[%add3A_457, %dma_start3A_458] : memref<200x128xi32, #tpu.memory_space<vmem>> -> memref<1x128xi32, #tpu.memory_space<vmem>>
      %dma_start3A_460 = tpu.memref_squeeze %dma_start3A_459 : memref<1x128xi32, #tpu.memory_space<vmem>> -> memref<128xi32, #tpu.memory_space<vmem>>
      %dma_start3A_461 = arith.constant 0 : i32
      %dma_start3A_462 = arith.constant 0 : i32
      %dma_start3A_463 = tpu.memref_slice %arg3[%dma_start3A_461, %dma_start3A_462] : memref<1000000x128xf32, #tpu.memory_space<hbm>> -> memref<1000000x128xf32, #tpu.memory_space<hbm>>
      tpu.enqueue_indirect_dma source(%dma_start3A_463 : memref<1000000x128xf32, #tpu.memory_space<hbm>>) target(%arg6 : memref<128x128xf32, #tpu.memory_space<vmem>>) offsets(%dma_start3A_460 : memref<128xi32, #tpu.memory_space<vmem>>) semaphore(%arg11 : memref<!tpu.dma_semaphore, #tpu.memory_space<semaphore_mem>>)
      %add3A_464 = arith.constant 1 : i32
      %add3A_465 = arith.addi %mul3A_408, %add3A_464 : i32
      %dma_wait3A_466 = arith.constant 0 : i32
      %dma_wait3A_467 = tpu.memref_slice %arg5[%add3A_465, %dma_wait3A_466] : memref<200x128xi32, #tpu.memory_space<vmem>> -> memref<1x128xi32, #tpu.memory_space<vmem>>
      %dma_wait3A_468 = tpu.memref_squeeze %dma_wait3A_467 : memref<1x128xi32, #tpu.memory_space<vmem>> -> memref<128xi32, #tpu.memory_space<vmem>>
      %dma_wait3A_469 = arith.constant 0 : i32
      %dma_wait3A_470 = arith.constant 0 : i32
      %dma_wait3A_471 = tpu.memref_slice %arg3[%dma_wait3A_469, %dma_wait3A_470] : memref<1000000x128xf32, #tpu.memory_space<hbm>> -> memref<1000000x128xf32, #tpu.memory_space<hbm>>
      tpu.wait_indirect_dma semaphore(%arg12 : memref<!tpu.dma_semaphore, #tpu.memory_space<semaphore_mem>>) src(%dma_wait3A_471 : memref<1000000x128xf32, #tpu.memory_space<hbm>>) dst(%arg7 : memref<128x128xf32, #tpu.memory_space<vmem>>)
      %sub3A_472 = arith.constant 2 : i32
      %sub3A_473 = arith.subi %add3A_465, %sub3A_472 : i32
      %mul3A_474 = arith.constant 128 : i32
      %mul3A_475 = arith.muli %sub3A_473, %mul3A_474 : i32
      %add3A_476 = arith.addi %mul3A_2, %mul3A_475 : i32
      %dma_wait3A_477 = arith.constant 1 : i32
      %dma_wait3A_478 = arith.constant 0 : i32
      %dma_wait3A_479 = tpu.memref_slice %arg4[%add3A_476, %dma_wait3A_478] : memref<819200x128xf32, #tpu.memory_space<hbm>> -> memref<128x128xf32, #tpu.memory_space<hbm>>
      %dma_wait3A_480 = arith.constant 0 : i32
      %dma_wait3A_481 = arith.constant 0 : i32
      %dma_wait3A_482 = tpu.memref_slice %arg10[%arg1, %dma_wait3A_477, %dma_wait3A_480, %dma_wait3A_481] : memref<16x2x128x128xf32, #tpu.memory_space<vmem_shared>> -> memref<1x1x128x128xf32, #tpu.memory_space<vmem_shared>>
      %dma_wait3A_483 = tpu.memref_squeeze %dma_wait3A_482 : memref<1x1x128x128xf32, #tpu.memory_space<vmem_shared>> -> memref<128x128xf32, #tpu.memory_space<vmem_shared>>
      tpu.wait_dma2 semaphore(%arg18 : memref<!tpu.dma_semaphore, #tpu.memory_space<semaphore_mem>>) src(%dma_wait3A_483 : memref<128x128xf32, #tpu.memory_space<vmem_shared>>) dst(%dma_wait3A_479 : memref<128x128xf32, #tpu.memory_space<hbm>>)
      %dma_start3A_484 = arith.constant 1 : i32
      %dma_start3A_485 = arith.constant 0 : i32
      %dma_start3A_486 = arith.constant 0 : i32
      %dma_start3A_487 = tpu.memref_slice %arg10[%arg1, %dma_start3A_484, %dma_start3A_485, %dma_start3A_486] : memref<16x2x128x128xf32, #tpu.memory_space<vmem_shared>> -> memref<1x1x128x128xf32, #tpu.memory_space<vmem_shared>>
      %dma_start3A_488 = tpu.memref_squeeze %dma_start3A_487 : memref<1x1x128x128xf32, #tpu.memory_space<vmem_shared>> -> memref<128x128xf32, #tpu.memory_space<vmem_shared>>
      %dma_start3A_489 = arith.constant 0 : i32
      %dma_start3A_490 = arith.constant 0 : i32
      %dma_start3A_491 = tpu.memref_slice %arg10[%arg1, %dma_start3A_484, %dma_start3A_489, %dma_start3A_490] : memref<16x2x128x128xf32, #tpu.memory_space<vmem_shared>> -> memref<1x1x128x128xf32, #tpu.memory_space<vmem_shared>>
      %dma_start3A_492 = tpu.memref_squeeze %dma_start3A_491 : memref<1x1x128x128xf32, #tpu.memory_space<vmem_shared>> -> memref<128x128xf32, #tpu.memory_space<vmem_shared>>
      tpu.enqueue_dma source(%arg7 : memref<128x128xf32, #tpu.memory_space<vmem>>) target(%dma_start3A_492 : memref<128x128xf32, #tpu.memory_space<vmem_shared>>) target_semaphore(%arg16 : memref<!tpu.dma_semaphore, #tpu.memory_space<semaphore_mem>>)
      %dma_wait3A_493 = arith.constant 1 : i32
      %dma_wait3A_494 = arith.constant 0 : i32
      %dma_wait3A_495 = arith.constant 0 : i32
      %dma_wait3A_496 = tpu.memref_slice %arg10[%arg1, %dma_wait3A_493, %dma_wait3A_494, %dma_wait3A_495] : memref<16x2x128x128xf32, #tpu.memory_space<vmem_shared>> -> memref<1x1x128x128xf32, #tpu.memory_space<vmem_shared>>
      %dma_wait3A_497 = tpu.memref_squeeze %dma_wait3A_496 : memref<1x1x128x128xf32, #tpu.memory_space<vmem_shared>> -> memref<128x128xf32, #tpu.memory_space<vmem_shared>>
      %dma_wait3A_498 = arith.constant 0 : i32
      %dma_wait3A_499 = arith.constant 0 : i32
      %dma_wait3A_500 = tpu.memref_slice %arg10[%arg1, %dma_wait3A_493, %dma_wait3A_498, %dma_wait3A_499] : memref<16x2x128x128xf32, #tpu.memory_space<vmem_shared>> -> memref<1x1x128x128xf32, #tpu.memory_space<vmem_shared>>
      %dma_wait3A_501 = tpu.memref_squeeze %dma_wait3A_500 : memref<1x1x128x128xf32, #tpu.memory_space<vmem_shared>> -> memref<128x128xf32, #tpu.memory_space<vmem_shared>>
      tpu.wait_dma2 semaphore(%arg16 : memref<!tpu.dma_semaphore, #tpu.memory_space<semaphore_mem>>) src(%arg7 : memref<128x128xf32, #tpu.memory_space<vmem>>) dst(%dma_wait3A_501 : memref<128x128xf32, #tpu.memory_space<vmem_shared>>)
      %mul3A_502 = arith.constant 128 : i32
      %mul3A_503 = arith.muli %add3A_465, %mul3A_502 : i32
      %add3A_504 = arith.addi %mul3A_2, %mul3A_503 : i32
      %dma_start3A_505 = arith.constant 1 : i32
      %dma_start3A_506 = arith.constant 0 : i32
      %dma_start3A_507 = tpu.memref_slice %arg4[%add3A_504, %dma_start3A_506] : memref<819200x128xf32, #tpu.memory_space<hbm>> -> memref<128x128xf32, #tpu.memory_space<hbm>>
      %dma_start3A_508 = arith.constant 0 : i32
      %dma_start3A_509 = arith.constant 0 : i32
      %dma_start3A_510 = tpu.memref_slice %arg10[%arg1, %dma_start3A_505, %dma_start3A_508, %dma_start3A_509] : memref<16x2x128x128xf32, #tpu.memory_space<vmem_shared>> -> memref<1x1x128x128xf32, #tpu.memory_space<vmem_shared>>
      %dma_start3A_511 = tpu.memref_squeeze %dma_start3A_510 : memref<1x1x128x128xf32, #tpu.memory_space<vmem_shared>> -> memref<128x128xf32, #tpu.memory_space<vmem_shared>>
      tpu.enqueue_dma source(%dma_start3A_511 : memref<128x128xf32, #tpu.memory_space<vmem_shared>>) target(%dma_start3A_507 : memref<128x128xf32, #tpu.memory_space<hbm>>) target_semaphore(%arg18 : memref<!tpu.dma_semaphore, #tpu.memory_space<semaphore_mem>>)
      %add3A_512 = arith.constant 4 : i32
      %add3A_513 = arith.addi %add3A_465, %add3A_512 : i32
      %dma_start3A_514 = arith.constant 0 : i32
      %dma_start3A_515 = tpu.memref_slice %arg5[%add3A_513, %dma_start3A_514] : memref<200x128xi32, #tpu.memory_space<vmem>> -> memref<1x128xi32, #tpu.memory_space<vmem>>
      %dma_start3A_516 = tpu.memref_squeeze %dma_start3A_515 : memref<1x128xi32, #tpu.memory_space<vmem>> -> memref<128xi32, #tpu.memory_space<vmem>>
      %dma_start3A_517 = arith.constant 0 : i32
      %dma_start3A_518 = arith.constant 0 : i32
      %dma_start3A_519 = tpu.memref_slice %arg3[%dma_start3A_517, %dma_start3A_518] : memref<1000000x128xf32, #tpu.memory_space<hbm>> -> memref<1000000x128xf32, #tpu.memory_space<hbm>>
      tpu.enqueue_indirect_dma source(%dma_start3A_519 : memref<1000000x128xf32, #tpu.memory_space<hbm>>) target(%arg7 : memref<128x128xf32, #tpu.memory_space<vmem>>) offsets(%dma_start3A_516 : memref<128xi32, #tpu.memory_space<vmem>>) semaphore(%arg12 : memref<!tpu.dma_semaphore, #tpu.memory_space<semaphore_mem>>)
      %add3A_520 = arith.constant 2 : i32
      %add3A_521 = arith.addi %mul3A_408, %add3A_520 : i32
      %dma_wait3A_522 = arith.constant 0 : i32
      %dma_wait3A_523 = tpu.memref_slice %arg5[%add3A_521, %dma_wait3A_522] : memref<200x128xi32, #tpu.memory_space<vmem>> -> memref<1x128xi32, #tpu.memory_space<vmem>>
      %dma_wait3A_524 = tpu.memref_squeeze %dma_wait3A_523 : memref<1x128xi32, #tpu.memory_space<vmem>> -> memref<128xi32, #tpu.memory_space<vmem>>
      %dma_wait3A_525 = arith.constant 0 : i32
      %dma_wait3A_526 = arith.constant 0 : i32
      %dma_wait3A_527 = tpu.memref_slice %arg3[%dma_wait3A_525, %dma_wait3A_526] : memref<1000000x128xf32, #tpu.memory_space<hbm>> -> memref<1000000x128xf32, #tpu.memory_space<hbm>>
      tpu.wait_indirect_dma semaphore(%arg13 : memref<!tpu.dma_semaphore, #tpu.memory_space<semaphore_mem>>) src(%dma_wait3A_527 : memref<1000000x128xf32, #tpu.memory_space<hbm>>) dst(%arg8 : memref<128x128xf32, #tpu.memory_space<vmem>>)
      %sub3A_528 = arith.constant 2 : i32
      %sub3A_529 = arith.subi %add3A_521, %sub3A_528 : i32
      %mul3A_530 = arith.constant 128 : i32
      %mul3A_531 = arith.muli %sub3A_529, %mul3A_530 : i32
      %add3A_532 = arith.addi %mul3A_2, %mul3A_531 : i32
      %dma_wait3A_533 = arith.constant 0 : i32
      %dma_wait3A_534 = arith.constant 0 : i32
      %dma_wait3A_535 = tpu.memref_slice %arg4[%add3A_532, %dma_wait3A_534] : memref<819200x128xf32, #tpu.memory_space<hbm>> -> memref<128x128xf32, #tpu.memory_space<hbm>>
      %dma_wait3A_536 = arith.constant 0 : i32
      %dma_wait3A_537 = arith.constant 0 : i32
      %dma_wait3A_538 = tpu.memref_slice %arg10[%arg1, %dma_wait3A_533, %dma_wait3A_536, %dma_wait3A_537] : memref<16x2x128x128xf32, #tpu.memory_space<vmem_shared>> -> memref<1x1x128x128xf32, #tpu.memory_space<vmem_shared>>
      %dma_wait3A_539 = tpu.memref_squeeze %dma_wait3A_538 : memref<1x1x128x128xf32, #tpu.memory_space<vmem_shared>> -> memref<128x128xf32, #tpu.memory_space<vmem_shared>>
      tpu.wait_dma2 semaphore(%arg17 : memref<!tpu.dma_semaphore, #tpu.memory_space<semaphore_mem>>) src(%dma_wait3A_539 : memref<128x128xf32, #tpu.memory_space<vmem_shared>>) dst(%dma_wait3A_535 : memref<128x128xf32, #tpu.memory_space<hbm>>)
      %dma_start3A_540 = arith.constant 0 : i32
      %dma_start3A_541 = arith.constant 0 : i32
      %dma_start3A_542 = arith.constant 0 : i32
      %dma_start3A_543 = tpu.memref_slice %arg10[%arg1, %dma_start3A_540, %dma_start3A_541, %dma_start3A_542] : memref<16x2x128x128xf32, #tpu.memory_space<vmem_shared>> -> memref<1x1x128x128xf32, #tpu.memory_space<vmem_shared>>
      %dma_start3A_544 = tpu.memref_squeeze %dma_start3A_543 : memref<1x1x128x128xf32, #tpu.memory_space<vmem_shared>> -> memref<128x128xf32, #tpu.memory_space<vmem_shared>>
      %dma_start3A_545 = arith.constant 0 : i32
      %dma_start3A_546 = arith.constant 0 : i32
      %dma_start3A_547 = tpu.memref_slice %arg10[%arg1, %dma_start3A_540, %dma_start3A_545, %dma_start3A_546] : memref<16x2x128x128xf32, #tpu.memory_space<vmem_shared>> -> memref<1x1x128x128xf32, #tpu.memory_space<vmem_shared>>
      %dma_start3A_548 = tpu.memref_squeeze %dma_start3A_547 : memref<1x1x128x128xf32, #tpu.memory_space<vmem_shared>> -> memref<128x128xf32, #tpu.memory_space<vmem_shared>>
      tpu.enqueue_dma source(%arg8 : memref<128x128xf32, #tpu.memory_space<vmem>>) target(%dma_start3A_548 : memref<128x128xf32, #tpu.memory_space<vmem_shared>>) target_semaphore(%arg15 : memref<!tpu.dma_semaphore, #tpu.memory_space<semaphore_mem>>)
      %dma_wait3A_549 = arith.constant 0 : i32
      %dma_wait3A_550 = arith.constant 0 : i32
      %dma_wait3A_551 = arith.constant 0 : i32
      %dma_wait3A_552 = tpu.memref_slice %arg10[%arg1, %dma_wait3A_549, %dma_wait3A_550, %dma_wait3A_551] : memref<16x2x128x128xf32, #tpu.memory_space<vmem_shared>> -> memref<1x1x128x128xf32, #tpu.memory_space<vmem_shared>>
      %dma_wait3A_553 = tpu.memref_squeeze %dma_wait3A_552 : memref<1x1x128x128xf32, #tpu.memory_space<vmem_shared>> -> memref<128x128xf32, #tpu.memory_space<vmem_shared>>
      %dma_wait3A_554 = arith.constant 0 : i32
      %dma_wait3A_555 = arith.constant 0 : i32
      %dma_wait3A_556 = tpu.memref_slice %arg10[%arg1, %dma_wait3A_549, %dma_wait3A_554, %dma_wait3A_555] : memref<16x2x128x128xf32, #tpu.memory_space<vmem_shared>> -> memref<1x1x128x128xf32, #tpu.memory_space<vmem_shared>>
      %dma_wait3A_557 = tpu.memref_squeeze %dma_wait3A_556 : memref<1x1x128x128xf32, #tpu.memory_space<vmem_shared>> -> memref<128x128xf32, #tpu.memory_space<vmem_shared>>
      tpu.wait_dma2 semaphore(%arg15 : memref<!tpu.dma_semaphore, #tpu.memory_space<semaphore_mem>>) src(%arg8 : memref<128x128xf32, #tpu.memory_space<vmem>>) dst(%dma_wait3A_557 : memref<128x128xf32, #tpu.memory_space<vmem_shared>>)
      %mul3A_558 = arith.constant 128 : i32
      %mul3A_559 = arith.muli %add3A_521, %mul3A_558 : i32
      %add3A_560 = arith.addi %mul3A_2, %mul3A_559 : i32
      %dma_start3A_561 = arith.constant 0 : i32
      %dma_start3A_562 = arith.constant 0 : i32
      %dma_start3A_563 = tpu.memref_slice %arg4[%add3A_560, %dma_start3A_562] : memref<819200x128xf32, #tpu.memory_space<hbm>> -> memref<128x128xf32, #tpu.memory_space<hbm>>
      %dma_start3A_564 = arith.constant 0 : i32
      %dma_start3A_565 = arith.constant 0 : i32
      %dma_start3A_566 = tpu.memref_slice %arg10[%arg1, %dma_start3A_561, %dma_start3A_564, %dma_start3A_565] : memref<16x2x128x128xf32, #tpu.memory_space<vmem_shared>> -> memref<1x1x128x128xf32, #tpu.memory_space<vmem_shared>>
      %dma_start3A_567 = tpu.memref_squeeze %dma_start3A_566 : memref<1x1x128x128xf32, #tpu.memory_space<vmem_shared>> -> memref<128x128xf32, #tpu.memory_space<vmem_shared>>
      tpu.enqueue_dma source(%dma_start3A_567 : memref<128x128xf32, #tpu.memory_space<vmem_shared>>) target(%dma_start3A_563 : memref<128x128xf32, #tpu.memory_space<hbm>>) target_semaphore(%arg17 : memref<!tpu.dma_semaphore, #tpu.memory_space<semaphore_mem>>)
      %add3A_568 = arith.constant 4 : i32
      %add3A_569 = arith.addi %add3A_521, %add3A_568 : i32
      %dma_start3A_570 = arith.constant 0 : i32
      %dma_start3A_571 = tpu.memref_slice %arg5[%add3A_569, %dma_start3A_570] : memref<200x128xi32, #tpu.memory_space<vmem>> -> memref<1x128xi32, #tpu.memory_space<vmem>>
      %dma_start3A_572 = tpu.memref_squeeze %dma_start3A_571 : memref<1x128xi32, #tpu.memory_space<vmem>> -> memref<128xi32, #tpu.memory_space<vmem>>
      %dma_start3A_573 = arith.constant 0 : i32
      %dma_start3A_574 = arith.constant 0 : i32
      %dma_start3A_575 = tpu.memref_slice %arg3[%dma_start3A_573, %dma_start3A_574] : memref<1000000x128xf32, #tpu.memory_space<hbm>> -> memref<1000000x128xf32, #tpu.memory_space<hbm>>
      tpu.enqueue_indirect_dma source(%dma_start3A_575 : memref<1000000x128xf32, #tpu.memory_space<hbm>>) target(%arg8 : memref<128x128xf32, #tpu.memory_space<vmem>>) offsets(%dma_start3A_572 : memref<128xi32, #tpu.memory_space<vmem>>) semaphore(%arg13 : memref<!tpu.dma_semaphore, #tpu.memory_space<semaphore_mem>>)
      %add3A_576 = arith.constant 3 : i32
      %add3A_577 = arith.addi %mul3A_408, %add3A_576 : i32
      %dma_wait3A_578 = arith.constant 0 : i32
      %dma_wait3A_579 = tpu.memref_slice %arg5[%add3A_577, %dma_wait3A_578] : memref<200x128xi32, #tpu.memory_space<vmem>> -> memref<1x128xi32, #tpu.memory_space<vmem>>
      %dma_wait3A_580 = tpu.memref_squeeze %dma_wait3A_579 : memref<1x128xi32, #tpu.memory_space<vmem>> -> memref<128xi32, #tpu.memory_space<vmem>>
      %dma_wait3A_581 = arith.constant 0 : i32
      %dma_wait3A_582 = arith.constant 0 : i32
      %dma_wait3A_583 = tpu.memref_slice %arg3[%dma_wait3A_581, %dma_wait3A_582] : memref<1000000x128xf32, #tpu.memory_space<hbm>> -> memref<1000000x128xf32, #tpu.memory_space<hbm>>
      tpu.wait_indirect_dma semaphore(%arg14 : memref<!tpu.dma_semaphore, #tpu.memory_space<semaphore_mem>>) src(%dma_wait3A_583 : memref<1000000x128xf32, #tpu.memory_space<hbm>>) dst(%arg9 : memref<128x128xf32, #tpu.memory_space<vmem>>)
      %sub3A_584 = arith.constant 2 : i32
      %sub3A_585 = arith.subi %add3A_577, %sub3A_584 : i32
      %mul3A_586 = arith.constant 128 : i32
      %mul3A_587 = arith.muli %sub3A_585, %mul3A_586 : i32
      %add3A_588 = arith.addi %mul3A_2, %mul3A_587 : i32
      %dma_wait3A_589 = arith.constant 1 : i32
      %dma_wait3A_590 = arith.constant 0 : i32
      %dma_wait3A_591 = tpu.memref_slice %arg4[%add3A_588, %dma_wait3A_590] : memref<819200x128xf32, #tpu.memory_space<hbm>> -> memref<128x128xf32, #tpu.memory_space<hbm>>
      %dma_wait3A_592 = arith.constant 0 : i32
      %dma_wait3A_593 = arith.constant 0 : i32
      %dma_wait3A_594 = tpu.memref_slice %arg10[%arg1, %dma_wait3A_589, %dma_wait3A_592, %dma_wait3A_593] : memref<16x2x128x128xf32, #tpu.memory_space<vmem_shared>> -> memref<1x1x128x128xf32, #tpu.memory_space<vmem_shared>>
      %dma_wait3A_595 = tpu.memref_squeeze %dma_wait3A_594 : memref<1x1x128x128xf32, #tpu.memory_space<vmem_shared>> -> memref<128x128xf32, #tpu.memory_space<vmem_shared>>
      tpu.wait_dma2 semaphore(%arg18 : memref<!tpu.dma_semaphore, #tpu.memory_space<semaphore_mem>>) src(%dma_wait3A_595 : memref<128x128xf32, #tpu.memory_space<vmem_shared>>) dst(%dma_wait3A_591 : memref<128x128xf32, #tpu.memory_space<hbm>>)
      %dma_start3A_596 = arith.constant 1 : i32
      %dma_start3A_597 = arith.constant 0 : i32
      %dma_start3A_598 = arith.constant 0 : i32
      %dma_start3A_599 = tpu.memref_slice %arg10[%arg1, %dma_start3A_596, %dma_start3A_597, %dma_start3A_598] : memref<16x2x128x128xf32, #tpu.memory_space<vmem_shared>> -> memref<1x1x128x128xf32, #tpu.memory_space<vmem_shared>>
      %dma_start3A_600 = tpu.memref_squeeze %dma_start3A_599 : memref<1x1x128x128xf32, #tpu.memory_space<vmem_shared>> -> memref<128x128xf32, #tpu.memory_space<vmem_shared>>
      %dma_start3A_601 = arith.constant 0 : i32
      %dma_start3A_602 = arith.constant 0 : i32
      %dma_start3A_603 = tpu.memref_slice %arg10[%arg1, %dma_start3A_596, %dma_start3A_601, %dma_start3A_602] : memref<16x2x128x128xf32, #tpu.memory_space<vmem_shared>> -> memref<1x1x128x128xf32, #tpu.memory_space<vmem_shared>>
      %dma_start3A_604 = tpu.memref_squeeze %dma_start3A_603 : memref<1x1x128x128xf32, #tpu.memory_space<vmem_shared>> -> memref<128x128xf32, #tpu.memory_space<vmem_shared>>
      tpu.enqueue_dma source(%arg9 : memref<128x128xf32, #tpu.memory_space<vmem>>) target(%dma_start3A_604 : memref<128x128xf32, #tpu.memory_space<vmem_shared>>) target_semaphore(%arg16 : memref<!tpu.dma_semaphore, #tpu.memory_space<semaphore_mem>>)
      %dma_wait3A_605 = arith.constant 1 : i32
      %dma_wait3A_606 = arith.constant 0 : i32
      %dma_wait3A_607 = arith.constant 0 : i32
      %dma_wait3A_608 = tpu.memref_slice %arg10[%arg1, %dma_wait3A_605, %dma_wait3A_606, %dma_wait3A_607] : memref<16x2x128x128xf32, #tpu.memory_space<vmem_shared>> -> memref<1x1x128x128xf32, #tpu.memory_space<vmem_shared>>
      %dma_wait3A_609 = tpu.memref_squeeze %dma_wait3A_608 : memref<1x1x128x128xf32, #tpu.memory_space<vmem_shared>> -> memref<128x128xf32, #tpu.memory_space<vmem_shared>>
      %dma_wait3A_610 = arith.constant 0 : i32
      %dma_wait3A_611 = arith.constant 0 : i32
      %dma_wait3A_612 = tpu.memref_slice %arg10[%arg1, %dma_wait3A_605, %dma_wait3A_610, %dma_wait3A_611] : memref<16x2x128x128xf32, #tpu.memory_space<vmem_shared>> -> memref<1x1x128x128xf32, #tpu.memory_space<vmem_shared>>
      %dma_wait3A_613 = tpu.memref_squeeze %dma_wait3A_612 : memref<1x1x128x128xf32, #tpu.memory_space<vmem_shared>> -> memref<128x128xf32, #tpu.memory_space<vmem_shared>>
      tpu.wait_dma2 semaphore(%arg16 : memref<!tpu.dma_semaphore, #tpu.memory_space<semaphore_mem>>) src(%arg9 : memref<128x128xf32, #tpu.memory_space<vmem>>) dst(%dma_wait3A_613 : memref<128x128xf32, #tpu.memory_space<vmem_shared>>)
      %mul3A_614 = arith.constant 128 : i32
      %mul3A_615 = arith.muli %add3A_577, %mul3A_614 : i32
      %add3A_616 = arith.addi %mul3A_2, %mul3A_615 : i32
      %dma_start3A_617 = arith.constant 1 : i32
      %dma_start3A_618 = arith.constant 0 : i32
      %dma_start3A_619 = tpu.memref_slice %arg4[%add3A_616, %dma_start3A_618] : memref<819200x128xf32, #tpu.memory_space<hbm>> -> memref<128x128xf32, #tpu.memory_space<hbm>>
      %dma_start3A_620 = arith.constant 0 : i32
      %dma_start3A_621 = arith.constant 0 : i32
      %dma_start3A_622 = tpu.memref_slice %arg10[%arg1, %dma_start3A_617, %dma_start3A_620, %dma_start3A_621] : memref<16x2x128x128xf32, #tpu.memory_space<vmem_shared>> -> memref<1x1x128x128xf32, #tpu.memory_space<vmem_shared>>
      %dma_start3A_623 = tpu.memref_squeeze %dma_start3A_622 : memref<1x1x128x128xf32, #tpu.memory_space<vmem_shared>> -> memref<128x128xf32, #tpu.memory_space<vmem_shared>>
      tpu.enqueue_dma source(%dma_start3A_623 : memref<128x128xf32, #tpu.memory_space<vmem_shared>>) target(%dma_start3A_619 : memref<128x128xf32, #tpu.memory_space<hbm>>) target_semaphore(%arg18 : memref<!tpu.dma_semaphore, #tpu.memory_space<semaphore_mem>>)
      %add3A_624 = arith.constant 4 : i32
      %add3A_625 = arith.addi %add3A_577, %add3A_624 : i32
      %dma_start3A_626 = arith.constant 0 : i32
      %dma_start3A_627 = tpu.memref_slice %arg5[%add3A_625, %dma_start3A_626] : memref<200x128xi32, #tpu.memory_space<vmem>> -> memref<1x128xi32, #tpu.memory_space<vmem>>
      %dma_start3A_628 = tpu.memref_squeeze %dma_start3A_627 : memref<1x128xi32, #tpu.memory_space<vmem>> -> memref<128xi32, #tpu.memory_space<vmem>>
      %dma_start3A_629 = arith.constant 0 : i32
      %dma_start3A_630 = arith.constant 0 : i32
      %dma_start3A_631 = tpu.memref_slice %arg3[%dma_start3A_629, %dma_start3A_630] : memref<1000000x128xf32, #tpu.memory_space<hbm>> -> memref<1000000x128xf32, #tpu.memory_space<hbm>>
      tpu.enqueue_indirect_dma source(%dma_start3A_631 : memref<1000000x128xf32, #tpu.memory_space<hbm>>) target(%arg9 : memref<128x128xf32, #tpu.memory_space<vmem>>) offsets(%dma_start3A_628 : memref<128xi32, #tpu.memory_space<vmem>>) semaphore(%arg14 : memref<!tpu.dma_semaphore, #tpu.memory_space<semaphore_mem>>)
    }
    %scan3A_215 = arith.constant 48 : i32
    %dma_wait3A_216 = arith.constant 196 : i32
    %dma_wait3A_217 = arith.constant 0 : i32
    %dma_wait3A_218 = tpu.memref_slice %arg5[%dma_wait3A_216, %dma_wait3A_217] : memref<200x128xi32, #tpu.memory_space<vmem>> -> memref<1x128xi32, #tpu.memory_space<vmem>>
    %dma_wait3A_219 = tpu.memref_squeeze %dma_wait3A_218 : memref<1x128xi32, #tpu.memory_space<vmem>> -> memref<128xi32, #tpu.memory_space<vmem>>
    %dma_wait3A_220 = arith.constant 0 : i32
    %dma_wait3A_221 = arith.constant 0 : i32
    %dma_wait3A_222 = tpu.memref_slice %arg3[%dma_wait3A_220, %dma_wait3A_221] : memref<1000000x128xf32, #tpu.memory_space<hbm>> -> memref<1000000x128xf32, #tpu.memory_space<hbm>>
    tpu.wait_indirect_dma semaphore(%arg11 : memref<!tpu.dma_semaphore, #tpu.memory_space<semaphore_mem>>) src(%dma_wait3A_222 : memref<1000000x128xf32, #tpu.memory_space<hbm>>) dst(%arg6 : memref<128x128xf32, #tpu.memory_space<vmem>>)
    %add3A_223 = arith.constant 24832 : i32
    %add3A_224 = arith.addi %mul3A_2, %add3A_223 : i32
    %dma_wait3A_225 = arith.constant 0 : i32
    %dma_wait3A_226 = arith.constant 0 : i32
    %dma_wait3A_227 = tpu.memref_slice %arg4[%add3A_224, %dma_wait3A_226] : memref<819200x128xf32, #tpu.memory_space<hbm>> -> memref<128x128xf32, #tpu.memory_space<hbm>>
    %dma_wait3A_228 = arith.constant 0 : i32
    %dma_wait3A_229 = arith.constant 0 : i32
    %dma_wait3A_230 = tpu.memref_slice %arg10[%arg1, %dma_wait3A_225, %dma_wait3A_228, %dma_wait3A_229] : memref<16x2x128x128xf32, #tpu.memory_space<vmem_shared>> -> memref<1x1x128x128xf32, #tpu.memory_space<vmem_shared>>
    %dma_wait3A_231 = tpu.memref_squeeze %dma_wait3A_230 : memref<1x1x128x128xf32, #tpu.memory_space<vmem_shared>> -> memref<128x128xf32, #tpu.memory_space<vmem_shared>>
    tpu.wait_dma2 semaphore(%arg17 : memref<!tpu.dma_semaphore, #tpu.memory_space<semaphore_mem>>) src(%dma_wait3A_231 : memref<128x128xf32, #tpu.memory_space<vmem_shared>>) dst(%dma_wait3A_227 : memref<128x128xf32, #tpu.memory_space<hbm>>)
    %dma_start3A_232 = arith.constant 0 : i32
    %dma_start3A_233 = arith.constant 0 : i32
    %dma_start3A_234 = arith.constant 0 : i32
    %dma_start3A_235 = tpu.memref_slice %arg10[%arg1, %dma_start3A_232, %dma_start3A_233, %dma_start3A_234] : memref<16x2x128x128xf32, #tpu.memory_space<vmem_shared>> -> memref<1x1x128x128xf32, #tpu.memory_space<vmem_shared>>
    %dma_start3A_236 = tpu.memref_squeeze %dma_start3A_235 : memref<1x1x128x128xf32, #tpu.memory_space<vmem_shared>> -> memref<128x128xf32, #tpu.memory_space<vmem_shared>>
    %dma_start3A_237 = arith.constant 0 : i32
    %dma_start3A_238 = arith.constant 0 : i32
    %dma_start3A_239 = tpu.memref_slice %arg10[%arg1, %dma_start3A_232, %dma_start3A_237, %dma_start3A_238] : memref<16x2x128x128xf32, #tpu.memory_space<vmem_shared>> -> memref<1x1x128x128xf32, #tpu.memory_space<vmem_shared>>
    %dma_start3A_240 = tpu.memref_squeeze %dma_start3A_239 : memref<1x1x128x128xf32, #tpu.memory_space<vmem_shared>> -> memref<128x128xf32, #tpu.memory_space<vmem_shared>>
    tpu.enqueue_dma source(%arg6 : memref<128x128xf32, #tpu.memory_space<vmem>>) target(%dma_start3A_240 : memref<128x128xf32, #tpu.memory_space<vmem_shared>>) target_semaphore(%arg15 : memref<!tpu.dma_semaphore, #tpu.memory_space<semaphore_mem>>)
    %dma_wait3A_241 = arith.constant 0 : i32
    %dma_wait3A_242 = arith.constant 0 : i32
    %dma_wait3A_243 = arith.constant 0 : i32
    %dma_wait3A_244 = tpu.memref_slice %arg10[%arg1, %dma_wait3A_241, %dma_wait3A_242, %dma_wait3A_243] : memref<16x2x128x128xf32, #tpu.memory_space<vmem_shared>> -> memref<1x1x128x128xf32, #tpu.memory_space<vmem_shared>>
    %dma_wait3A_245 = tpu.memref_squeeze %dma_wait3A_244 : memref<1x1x128x128xf32, #tpu.memory_space<vmem_shared>> -> memref<128x128xf32, #tpu.memory_space<vmem_shared>>
    %dma_wait3A_246 = arith.constant 0 : i32
    %dma_wait3A_247 = arith.constant 0 : i32
    %dma_wait3A_248 = tpu.memref_slice %arg10[%arg1, %dma_wait3A_241, %dma_wait3A_246, %dma_wait3A_247] : memref<16x2x128x128xf32, #tpu.memory_space<vmem_shared>> -> memref<1x1x128x128xf32, #tpu.memory_space<vmem_shared>>
    %dma_wait3A_249 = tpu.memref_squeeze %dma_wait3A_248 : memref<1x1x128x128xf32, #tpu.memory_space<vmem_shared>> -> memref<128x128xf32, #tpu.memory_space<vmem_shared>>
    tpu.wait_dma2 semaphore(%arg15 : memref<!tpu.dma_semaphore, #tpu.memory_space<semaphore_mem>>) src(%arg6 : memref<128x128xf32, #tpu.memory_space<vmem>>) dst(%dma_wait3A_249 : memref<128x128xf32, #tpu.memory_space<vmem_shared>>)
    %add3A_250 = arith.constant 25088 : i32
    %add3A_251 = arith.addi %mul3A_2, %add3A_250 : i32
    %dma_start3A_252 = arith.constant 0 : i32
    %dma_start3A_253 = arith.constant 0 : i32
    %dma_start3A_254 = tpu.memref_slice %arg4[%add3A_251, %dma_start3A_253] : memref<819200x128xf32, #tpu.memory_space<hbm>> -> memref<128x128xf32, #tpu.memory_space<hbm>>
    %dma_start3A_255 = arith.constant 0 : i32
    %dma_start3A_256 = arith.constant 0 : i32
    %dma_start3A_257 = tpu.memref_slice %arg10[%arg1, %dma_start3A_252, %dma_start3A_255, %dma_start3A_256] : memref<16x2x128x128xf32, #tpu.memory_space<vmem_shared>> -> memref<1x1x128x128xf32, #tpu.memory_space<vmem_shared>>
    %dma_start3A_258 = tpu.memref_squeeze %dma_start3A_257 : memref<1x1x128x128xf32, #tpu.memory_space<vmem_shared>> -> memref<128x128xf32, #tpu.memory_space<vmem_shared>>
    tpu.enqueue_dma source(%dma_start3A_258 : memref<128x128xf32, #tpu.memory_space<vmem_shared>>) target(%dma_start3A_254 : memref<128x128xf32, #tpu.memory_space<hbm>>) target_semaphore(%arg17 : memref<!tpu.dma_semaphore, #tpu.memory_space<semaphore_mem>>)
    %dma_wait3A_259 = arith.constant 197 : i32
    %dma_wait3A_260 = arith.constant 0 : i32
    %dma_wait3A_261 = tpu.memref_slice %arg5[%dma_wait3A_259, %dma_wait3A_260] : memref<200x128xi32, #tpu.memory_space<vmem>> -> memref<1x128xi32, #tpu.memory_space<vmem>>
    %dma_wait3A_262 = tpu.memref_squeeze %dma_wait3A_261 : memref<1x128xi32, #tpu.memory_space<vmem>> -> memref<128xi32, #tpu.memory_space<vmem>>
    %dma_wait3A_263 = arith.constant 0 : i32
    %dma_wait3A_264 = arith.constant 0 : i32
    %dma_wait3A_265 = tpu.memref_slice %arg3[%dma_wait3A_263, %dma_wait3A_264] : memref<1000000x128xf32, #tpu.memory_space<hbm>> -> memref<1000000x128xf32, #tpu.memory_space<hbm>>
    tpu.wait_indirect_dma semaphore(%arg12 : memref<!tpu.dma_semaphore, #tpu.memory_space<semaphore_mem>>) src(%dma_wait3A_265 : memref<1000000x128xf32, #tpu.memory_space<hbm>>) dst(%arg7 : memref<128x128xf32, #tpu.memory_space<vmem>>)
    %add3A_266 = arith.constant 24960 : i32
    %add3A_267 = arith.addi %mul3A_2, %add3A_266 : i32
    %dma_wait3A_268 = arith.constant 1 : i32
    %dma_wait3A_269 = arith.constant 0 : i32
    %dma_wait3A_270 = tpu.memref_slice %arg4[%add3A_267, %dma_wait3A_269] : memref<819200x128xf32, #tpu.memory_space<hbm>> -> memref<128x128xf32, #tpu.memory_space<hbm>>
    %dma_wait3A_271 = arith.constant 0 : i32
    %dma_wait3A_272 = arith.constant 0 : i32
    %dma_wait3A_273 = tpu.memref_slice %arg10[%arg1, %dma_wait3A_268, %dma_wait3A_271, %dma_wait3A_272] : memref<16x2x128x128xf32, #tpu.memory_space<vmem_shared>> -> memref<1x1x128x128xf32, #tpu.memory_space<vmem_shared>>
    %dma_wait3A_274 = tpu.memref_squeeze %dma_wait3A_273 : memref<1x1x128x128xf32, #tpu.memory_space<vmem_shared>> -> memref<128x128xf32, #tpu.memory_space<vmem_shared>>
    tpu.wait_dma2 semaphore(%arg18 : memref<!tpu.dma_semaphore, #tpu.memory_space<semaphore_mem>>) src(%dma_wait3A_274 : memref<128x128xf32, #tpu.memory_space<vmem_shared>>) dst(%dma_wait3A_270 : memref<128x128xf32, #tpu.memory_space<hbm>>)
    %dma_start3A_275 = arith.constant 1 : i32
    %dma_start3A_276 = arith.constant 0 : i32
    %dma_start3A_277 = arith.constant 0 : i32
    %dma_start3A_278 = tpu.memref_slice %arg10[%arg1, %dma_start3A_275, %dma_start3A_276, %dma_start3A_277] : memref<16x2x128x128xf32, #tpu.memory_space<vmem_shared>> -> memref<1x1x128x128xf32, #tpu.memory_space<vmem_shared>>
    %dma_start3A_279 = tpu.memref_squeeze %dma_start3A_278 : memref<1x1x128x128xf32, #tpu.memory_space<vmem_shared>> -> memref<128x128xf32, #tpu.memory_space<vmem_shared>>
    %dma_start3A_280 = arith.constant 0 : i32
    %dma_start3A_281 = arith.constant 0 : i32
    %dma_start3A_282 = tpu.memref_slice %arg10[%arg1, %dma_start3A_275, %dma_start3A_280, %dma_start3A_281] : memref<16x2x128x128xf32, #tpu.memory_space<vmem_shared>> -> memref<1x1x128x128xf32, #tpu.memory_space<vmem_shared>>
    %dma_start3A_283 = tpu.memref_squeeze %dma_start3A_282 : memref<1x1x128x128xf32, #tpu.memory_space<vmem_shared>> -> memref<128x128xf32, #tpu.memory_space<vmem_shared>>
    tpu.enqueue_dma source(%arg7 : memref<128x128xf32, #tpu.memory_space<vmem>>) target(%dma_start3A_283 : memref<128x128xf32, #tpu.memory_space<vmem_shared>>) target_semaphore(%arg16 : memref<!tpu.dma_semaphore, #tpu.memory_space<semaphore_mem>>)
    %dma_wait3A_284 = arith.constant 1 : i32
    %dma_wait3A_285 = arith.constant 0 : i32
    %dma_wait3A_286 = arith.constant 0 : i32
    %dma_wait3A_287 = tpu.memref_slice %arg10[%arg1, %dma_wait3A_284, %dma_wait3A_285, %dma_wait3A_286] : memref<16x2x128x128xf32, #tpu.memory_space<vmem_shared>> -> memref<1x1x128x128xf32, #tpu.memory_space<vmem_shared>>
    %dma_wait3A_288 = tpu.memref_squeeze %dma_wait3A_287 : memref<1x1x128x128xf32, #tpu.memory_space<vmem_shared>> -> memref<128x128xf32, #tpu.memory_space<vmem_shared>>
    %dma_wait3A_289 = arith.constant 0 : i32
    %dma_wait3A_290 = arith.constant 0 : i32
    %dma_wait3A_291 = tpu.memref_slice %arg10[%arg1, %dma_wait3A_284, %dma_wait3A_289, %dma_wait3A_290] : memref<16x2x128x128xf32, #tpu.memory_space<vmem_shared>> -> memref<1x1x128x128xf32, #tpu.memory_space<vmem_shared>>
    %dma_wait3A_292 = tpu.memref_squeeze %dma_wait3A_291 : memref<1x1x128x128xf32, #tpu.memory_space<vmem_shared>> -> memref<128x128xf32, #tpu.memory_space<vmem_shared>>
    tpu.wait_dma2 semaphore(%arg16 : memref<!tpu.dma_semaphore, #tpu.memory_space<semaphore_mem>>) src(%arg7 : memref<128x128xf32, #tpu.memory_space<vmem>>) dst(%dma_wait3A_292 : memref<128x128xf32, #tpu.memory_space<vmem_shared>>)
    %add3A_293 = arith.constant 25216 : i32
    %add3A_294 = arith.addi %mul3A_2, %add3A_293 : i32
    %dma_start3A_295 = arith.constant 1 : i32
    %dma_start3A_296 = arith.constant 0 : i32
    %dma_start3A_297 = tpu.memref_slice %arg4[%add3A_294, %dma_start3A_296] : memref<819200x128xf32, #tpu.memory_space<hbm>> -> memref<128x128xf32, #tpu.memory_space<hbm>>
    %dma_start3A_298 = arith.constant 0 : i32
    %dma_start3A_299 = arith.constant 0 : i32
    %dma_start3A_300 = tpu.memref_slice %arg10[%arg1, %dma_start3A_295, %dma_start3A_298, %dma_start3A_299] : memref<16x2x128x128xf32, #tpu.memory_space<vmem_shared>> -> memref<1x1x128x128xf32, #tpu.memory_space<vmem_shared>>
    %dma_start3A_301 = tpu.memref_squeeze %dma_start3A_300 : memref<1x1x128x128xf32, #tpu.memory_space<vmem_shared>> -> memref<128x128xf32, #tpu.memory_space<vmem_shared>>
    tpu.enqueue_dma source(%dma_start3A_301 : memref<128x128xf32, #tpu.memory_space<vmem_shared>>) target(%dma_start3A_297 : memref<128x128xf32, #tpu.memory_space<hbm>>) target_semaphore(%arg18 : memref<!tpu.dma_semaphore, #tpu.memory_space<semaphore_mem>>)
    %dma_wait3A_302 = arith.constant 198 : i32
    %dma_wait3A_303 = arith.constant 0 : i32
    %dma_wait3A_304 = tpu.memref_slice %arg5[%dma_wait3A_302, %dma_wait3A_303] : memref<200x128xi32, #tpu.memory_space<vmem>> -> memref<1x128xi32, #tpu.memory_space<vmem>>
    %dma_wait3A_305 = tpu.memref_squeeze %dma_wait3A_304 : memref<1x128xi32, #tpu.memory_space<vmem>> -> memref<128xi32, #tpu.memory_space<vmem>>
    %dma_wait3A_306 = arith.constant 0 : i32
    %dma_wait3A_307 = arith.constant 0 : i32
    %dma_wait3A_308 = tpu.memref_slice %arg3[%dma_wait3A_306, %dma_wait3A_307] : memref<1000000x128xf32, #tpu.memory_space<hbm>> -> memref<1000000x128xf32, #tpu.memory_space<hbm>>
    tpu.wait_indirect_dma semaphore(%arg13 : memref<!tpu.dma_semaphore, #tpu.memory_space<semaphore_mem>>) src(%dma_wait3A_308 : memref<1000000x128xf32, #tpu.memory_space<hbm>>) dst(%arg8 : memref<128x128xf32, #tpu.memory_space<vmem>>)
    %add3A_309 = arith.constant 25088 : i32
    %add3A_310 = arith.addi %mul3A_2, %add3A_309 : i32
    %dma_wait3A_311 = arith.constant 0 : i32
    %dma_wait3A_312 = arith.constant 0 : i32
    %dma_wait3A_313 = tpu.memref_slice %arg4[%add3A_310, %dma_wait3A_312] : memref<819200x128xf32, #tpu.memory_space<hbm>> -> memref<128x128xf32, #tpu.memory_space<hbm>>
    %dma_wait3A_314 = arith.constant 0 : i32
    %dma_wait3A_315 = arith.constant 0 : i32
    %dma_wait3A_316 = tpu.memref_slice %arg10[%arg1, %dma_wait3A_311, %dma_wait3A_314, %dma_wait3A_315] : memref<16x2x128x128xf32, #tpu.memory_space<vmem_shared>> -> memref<1x1x128x128xf32, #tpu.memory_space<vmem_shared>>
    %dma_wait3A_317 = tpu.memref_squeeze %dma_wait3A_316 : memref<1x1x128x128xf32, #tpu.memory_space<vmem_shared>> -> memref<128x128xf32, #tpu.memory_space<vmem_shared>>
    tpu.wait_dma2 semaphore(%arg17 : memref<!tpu.dma_semaphore, #tpu.memory_space<semaphore_mem>>) src(%dma_wait3A_317 : memref<128x128xf32, #tpu.memory_space<vmem_shared>>) dst(%dma_wait3A_313 : memref<128x128xf32, #tpu.memory_space<hbm>>)
    %dma_start3A_318 = arith.constant 0 : i32
    %dma_start3A_319 = arith.constant 0 : i32
    %dma_start3A_320 = arith.constant 0 : i32
    %dma_start3A_321 = tpu.memref_slice %arg10[%arg1, %dma_start3A_318, %dma_start3A_319, %dma_start3A_320] : memref<16x2x128x128xf32, #tpu.memory_space<vmem_shared>> -> memref<1x1x128x128xf32, #tpu.memory_space<vmem_shared>>
    %dma_start3A_322 = tpu.memref_squeeze %dma_start3A_321 : memref<1x1x128x128xf32, #tpu.memory_space<vmem_shared>> -> memref<128x128xf32, #tpu.memory_space<vmem_shared>>
    %dma_start3A_323 = arith.constant 0 : i32
    %dma_start3A_324 = arith.constant 0 : i32
    %dma_start3A_325 = tpu.memref_slice %arg10[%arg1, %dma_start3A_318, %dma_start3A_323, %dma_start3A_324] : memref<16x2x128x128xf32, #tpu.memory_space<vmem_shared>> -> memref<1x1x128x128xf32, #tpu.memory_space<vmem_shared>>
    %dma_start3A_326 = tpu.memref_squeeze %dma_start3A_325 : memref<1x1x128x128xf32, #tpu.memory_space<vmem_shared>> -> memref<128x128xf32, #tpu.memory_space<vmem_shared>>
    tpu.enqueue_dma source(%arg8 : memref<128x128xf32, #tpu.memory_space<vmem>>) target(%dma_start3A_326 : memref<128x128xf32, #tpu.memory_space<vmem_shared>>) target_semaphore(%arg15 : memref<!tpu.dma_semaphore, #tpu.memory_space<semaphore_mem>>)
    %dma_wait3A_327 = arith.constant 0 : i32
    %dma_wait3A_328 = arith.constant 0 : i32
    %dma_wait3A_329 = arith.constant 0 : i32
    %dma_wait3A_330 = tpu.memref_slice %arg10[%arg1, %dma_wait3A_327, %dma_wait3A_328, %dma_wait3A_329] : memref<16x2x128x128xf32, #tpu.memory_space<vmem_shared>> -> memref<1x1x128x128xf32, #tpu.memory_space<vmem_shared>>
    %dma_wait3A_331 = tpu.memref_squeeze %dma_wait3A_330 : memref<1x1x128x128xf32, #tpu.memory_space<vmem_shared>> -> memref<128x128xf32, #tpu.memory_space<vmem_shared>>
    %dma_wait3A_332 = arith.constant 0 : i32
    %dma_wait3A_333 = arith.constant 0 : i32
    %dma_wait3A_334 = tpu.memref_slice %arg10[%arg1, %dma_wait3A_327, %dma_wait3A_332, %dma_wait3A_333] : memref<16x2x128x128xf32, #tpu.memory_space<vmem_shared>> -> memref<1x1x128x128xf32, #tpu.memory_space<vmem_shared>>
    %dma_wait3A_335 = tpu.memref_squeeze %dma_wait3A_334 : memref<1x1x128x128xf32, #tpu.memory_space<vmem_shared>> -> memref<128x128xf32, #tpu.memory_space<vmem_shared>>
    tpu.wait_dma2 semaphore(%arg15 : memref<!tpu.dma_semaphore, #tpu.memory_space<semaphore_mem>>) src(%arg8 : memref<128x128xf32, #tpu.memory_space<vmem>>) dst(%dma_wait3A_335 : memref<128x128xf32, #tpu.memory_space<vmem_shared>>)
    %add3A_336 = arith.constant 25344 : i32
    %add3A_337 = arith.addi %mul3A_2, %add3A_336 : i32
    %dma_start3A_338 = arith.constant 0 : i32
    %dma_start3A_339 = arith.constant 0 : i32
    %dma_start3A_340 = tpu.memref_slice %arg4[%add3A_337, %dma_start3A_339] : memref<819200x128xf32, #tpu.memory_space<hbm>> -> memref<128x128xf32, #tpu.memory_space<hbm>>
    %dma_start3A_341 = arith.constant 0 : i32
    %dma_start3A_342 = arith.constant 0 : i32
    %dma_start3A_343 = tpu.memref_slice %arg10[%arg1, %dma_start3A_338, %dma_start3A_341, %dma_start3A_342] : memref<16x2x128x128xf32, #tpu.memory_space<vmem_shared>> -> memref<1x1x128x128xf32, #tpu.memory_space<vmem_shared>>
    %dma_start3A_344 = tpu.memref_squeeze %dma_start3A_343 : memref<1x1x128x128xf32, #tpu.memory_space<vmem_shared>> -> memref<128x128xf32, #tpu.memory_space<vmem_shared>>
    tpu.enqueue_dma source(%dma_start3A_344 : memref<128x128xf32, #tpu.memory_space<vmem_shared>>) target(%dma_start3A_340 : memref<128x128xf32, #tpu.memory_space<hbm>>) target_semaphore(%arg17 : memref<!tpu.dma_semaphore, #tpu.memory_space<semaphore_mem>>)
    %dma_wait3A_345 = arith.constant 199 : i32
    %dma_wait3A_346 = arith.constant 0 : i32
    %dma_wait3A_347 = tpu.memref_slice %arg5[%dma_wait3A_345, %dma_wait3A_346] : memref<200x128xi32, #tpu.memory_space<vmem>> -> memref<1x128xi32, #tpu.memory_space<vmem>>
    %dma_wait3A_348 = tpu.memref_squeeze %dma_wait3A_347 : memref<1x128xi32, #tpu.memory_space<vmem>> -> memref<128xi32, #tpu.memory_space<vmem>>
    %dma_wait3A_349 = arith.constant 0 : i32
    %dma_wait3A_350 = arith.constant 0 : i32
    %dma_wait3A_351 = tpu.memref_slice %arg3[%dma_wait3A_349, %dma_wait3A_350] : memref<1000000x128xf32, #tpu.memory_space<hbm>> -> memref<1000000x128xf32, #tpu.memory_space<hbm>>
    tpu.wait_indirect_dma semaphore(%arg14 : memref<!tpu.dma_semaphore, #tpu.memory_space<semaphore_mem>>) src(%dma_wait3A_351 : memref<1000000x128xf32, #tpu.memory_space<hbm>>) dst(%arg9 : memref<128x128xf32, #tpu.memory_space<vmem>>)
    %add3A_352 = arith.constant 25216 : i32
    %add3A_353 = arith.addi %mul3A_2, %add3A_352 : i32
    %dma_wait3A_354 = arith.constant 1 : i32
    %dma_wait3A_355 = arith.constant 0 : i32
    %dma_wait3A_356 = tpu.memref_slice %arg4[%add3A_353, %dma_wait3A_355] : memref<819200x128xf32, #tpu.memory_space<hbm>> -> memref<128x128xf32, #tpu.memory_space<hbm>>
    %dma_wait3A_357 = arith.constant 0 : i32
    %dma_wait3A_358 = arith.constant 0 : i32
    %dma_wait3A_359 = tpu.memref_slice %arg10[%arg1, %dma_wait3A_354, %dma_wait3A_357, %dma_wait3A_358] : memref<16x2x128x128xf32, #tpu.memory_space<vmem_shared>> -> memref<1x1x128x128xf32, #tpu.memory_space<vmem_shared>>
    %dma_wait3A_360 = tpu.memref_squeeze %dma_wait3A_359 : memref<1x1x128x128xf32, #tpu.memory_space<vmem_shared>> -> memref<128x128xf32, #tpu.memory_space<vmem_shared>>
    tpu.wait_dma2 semaphore(%arg18 : memref<!tpu.dma_semaphore, #tpu.memory_space<semaphore_mem>>) src(%dma_wait3A_360 : memref<128x128xf32, #tpu.memory_space<vmem_shared>>) dst(%dma_wait3A_356 : memref<128x128xf32, #tpu.memory_space<hbm>>)
    %dma_start3A_361 = arith.constant 1 : i32
    %dma_start3A_362 = arith.constant 0 : i32
    %dma_start3A_363 = arith.constant 0 : i32
    %dma_start3A_364 = tpu.memref_slice %arg10[%arg1, %dma_start3A_361, %dma_start3A_362, %dma_start3A_363] : memref<16x2x128x128xf32, #tpu.memory_space<vmem_shared>> -> memref<1x1x128x128xf32, #tpu.memory_space<vmem_shared>>
    %dma_start3A_365 = tpu.memref_squeeze %dma_start3A_364 : memref<1x1x128x128xf32, #tpu.memory_space<vmem_shared>> -> memref<128x128xf32, #tpu.memory_space<vmem_shared>>
    %dma_start3A_366 = arith.constant 0 : i32
    %dma_start3A_367 = arith.constant 0 : i32
    %dma_start3A_368 = tpu.memref_slice %arg10[%arg1, %dma_start3A_361, %dma_start3A_366, %dma_start3A_367] : memref<16x2x128x128xf32, #tpu.memory_space<vmem_shared>> -> memref<1x1x128x128xf32, #tpu.memory_space<vmem_shared>>
    %dma_start3A_369 = tpu.memref_squeeze %dma_start3A_368 : memref<1x1x128x128xf32, #tpu.memory_space<vmem_shared>> -> memref<128x128xf32, #tpu.memory_space<vmem_shared>>
    tpu.enqueue_dma source(%arg9 : memref<128x128xf32, #tpu.memory_space<vmem>>) target(%dma_start3A_369 : memref<128x128xf32, #tpu.memory_space<vmem_shared>>) target_semaphore(%arg16 : memref<!tpu.dma_semaphore, #tpu.memory_space<semaphore_mem>>)
    %dma_wait3A_370 = arith.constant 1 : i32
    %dma_wait3A_371 = arith.constant 0 : i32
    %dma_wait3A_372 = arith.constant 0 : i32
    %dma_wait3A_373 = tpu.memref_slice %arg10[%arg1, %dma_wait3A_370, %dma_wait3A_371, %dma_wait3A_372] : memref<16x2x128x128xf32, #tpu.memory_space<vmem_shared>> -> memref<1x1x128x128xf32, #tpu.memory_space<vmem_shared>>
    %dma_wait3A_374 = tpu.memref_squeeze %dma_wait3A_373 : memref<1x1x128x128xf32, #tpu.memory_space<vmem_shared>> -> memref<128x128xf32, #tpu.memory_space<vmem_shared>>
    %dma_wait3A_375 = arith.constant 0 : i32
    %dma_wait3A_376 = arith.constant 0 : i32
    %dma_wait3A_377 = tpu.memref_slice %arg10[%arg1, %dma_wait3A_370, %dma_wait3A_375, %dma_wait3A_376] : memref<16x2x128x128xf32, #tpu.memory_space<vmem_shared>> -> memref<1x1x128x128xf32, #tpu.memory_space<vmem_shared>>
    %dma_wait3A_378 = tpu.memref_squeeze %dma_wait3A_377 : memref<1x1x128x128xf32, #tpu.memory_space<vmem_shared>> -> memref<128x128xf32, #tpu.memory_space<vmem_shared>>
    tpu.wait_dma2 semaphore(%arg16 : memref<!tpu.dma_semaphore, #tpu.memory_space<semaphore_mem>>) src(%arg9 : memref<128x128xf32, #tpu.memory_space<vmem>>) dst(%dma_wait3A_378 : memref<128x128xf32, #tpu.memory_space<vmem_shared>>)
    %add3A_379 = arith.constant 25472 : i32
    %add3A_380 = arith.addi %mul3A_2, %add3A_379 : i32
    %dma_start3A_381 = arith.constant 1 : i32
    %dma_start3A_382 = arith.constant 0 : i32
    %dma_start3A_383 = tpu.memref_slice %arg4[%add3A_380, %dma_start3A_382] : memref<819200x128xf32, #tpu.memory_space<hbm>> -> memref<128x128xf32, #tpu.memory_space<hbm>>
    %dma_start3A_384 = arith.constant 0 : i32
    %dma_start3A_385 = arith.constant 0 : i32
    %dma_start3A_386 = tpu.memref_slice %arg10[%arg1, %dma_start3A_381, %dma_start3A_384, %dma_start3A_385] : memref<16x2x128x128xf32, #tpu.memory_space<vmem_shared>> -> memref<1x1x128x128xf32, #tpu.memory_space<vmem_shared>>
    %dma_start3A_387 = tpu.memref_squeeze %dma_start3A_386 : memref<1x1x128x128xf32, #tpu.memory_space<vmem_shared>> -> memref<128x128xf32, #tpu.memory_space<vmem_shared>>
    tpu.enqueue_dma source(%dma_start3A_387 : memref<128x128xf32, #tpu.memory_space<vmem_shared>>) target(%dma_start3A_383 : memref<128x128xf32, #tpu.memory_space<hbm>>) target_semaphore(%arg18 : memref<!tpu.dma_semaphore, #tpu.memory_space<semaphore_mem>>)
    %add3A_388 = arith.constant 25344 : i32
    %add3A_389 = arith.addi %mul3A_2, %add3A_388 : i32
    %dma_wait3A_390 = arith.constant 0 : i32
    %dma_wait3A_391 = arith.constant 0 : i32
    %dma_wait3A_392 = tpu.memref_slice %arg4[%add3A_389, %dma_wait3A_391] : memref<819200x128xf32, #tpu.memory_space<hbm>> -> memref<128x128xf32, #tpu.memory_space<hbm>>
    %dma_wait3A_393 = arith.constant 0 : i32
    %dma_wait3A_394 = arith.constant 0 : i32
    %dma_wait3A_395 = tpu.memref_slice %arg10[%arg1, %dma_wait3A_390, %dma_wait3A_393, %dma_wait3A_394] : memref<16x2x128x128xf32, #tpu.memory_space<vmem_shared>> -> memref<1x1x128x128xf32, #tpu.memory_space<vmem_shared>>
    %dma_wait3A_396 = tpu.memref_squeeze %dma_wait3A_395 : memref<1x1x128x128xf32, #tpu.memory_space<vmem_shared>> -> memref<128x128xf32, #tpu.memory_space<vmem_shared>>
    tpu.wait_dma2 semaphore(%arg17 : memref<!tpu.dma_semaphore, #tpu.memory_space<semaphore_mem>>) src(%dma_wait3A_396 : memref<128x128xf32, #tpu.memory_space<vmem_shared>>) dst(%dma_wait3A_392 : memref<128x128xf32, #tpu.memory_space<hbm>>)
    %add3A_397 = arith.constant 25472 : i32
    %add3A_398 = arith.addi %mul3A_2, %add3A_397 : i32
    %dma_wait3A_399 = arith.constant 1 : i32
    %dma_wait3A_400 = arith.constant 0 : i32
    %dma_wait3A_401 = tpu.memref_slice %arg4[%add3A_398, %dma_wait3A_400] : memref<819200x128xf32, #tpu.memory_space<hbm>> -> memref<128x128xf32, #tpu.memory_space<hbm>>
    %dma_wait3A_402 = arith.constant 0 : i32
    %dma_wait3A_403 = arith.constant 0 : i32
    %dma_wait3A_404 = tpu.memref_slice %arg10[%arg1, %dma_wait3A_399, %dma_wait3A_402, %dma_wait3A_403] : memref<16x2x128x128xf32, #tpu.memory_space<vmem_shared>> -> memref<1x1x128x128xf32, #tpu.memory_space<vmem_shared>>
    %dma_wait3A_405 = tpu.memref_squeeze %dma_wait3A_404 : memref<1x1x128x128xf32, #tpu.memory_space<vmem_shared>> -> memref<128x128xf32, #tpu.memory_space<vmem_shared>>
    tpu.wait_dma2 semaphore(%arg18 : memref<!tpu.dma_semaphore, #tpu.memory_space<semaphore_mem>>) src(%dma_wait3A_405 : memref<128x128xf32, #tpu.memory_space<vmem_shared>>) dst(%dma_wait3A_401 : memref<128x128xf32, #tpu.memory_space<hbm>>)
    return
  }
}

</mosaic_0001>

<sc_bundles>
// kernel: kernel.3.cloned.1.call-start
scs
__scs_entry_jumppad:
0x0: {  	(pc) =	sbr.rel $0x88, $3  }
0x1: {  	(tag) =	ssettag $0x0;
	lr =	simm.s32 $0x1  }
0x2: {  	[smem:$0x3F9F] =	sst lr;
	_ =	strace $0xD0000000  }
0x3: {  	_ = 	snop  }
0x4: {  	_ = 	snop  }
0x5: {  	_ = 	snop  }
0x6: {  	_ = 	snop  }
0x7: {  	_ = 	snop  }
__scs_overlays_trampoline_lowered:
0x8: {  	[smem:$0x3FAE] =	sst s0  }
0x9: {  	[smem:$0x3FAF] =	sst s1  }
0xa: {  	[smem:$0x3FB0] =	sst s2  }
0xb: {  	[smem:$0x3FB1] =	sst s3  }
0xc: {  	[smem:$0x3FB2] =	sst s4  }
0xd: {  	[smem:$0x3FB3] =	sst s5  }
0xe: {  	[smem:$0x3FB4] =	sst s6  }
0xf: {  	[smem:$0x3FB5] =	sst s7  }
0x10: {  	[smem:$0x3FB6] =	sst s8  }
0x11: {  	[smem:$0x3FB7] =	sst s9;
	s0 =	simm.s32 @!p0 $0x0  }
0x12: {  	s1 =	sld [smem:$0x3F9D];
	s0 =	simm.s32 @p0 $0x1  }
0x13: {  	[smem:$0x3FB8] =	sst s0;
	s0 =	simm.s32 @!p1 $0x0  }
0x14: {  	s2 =	sld [smem:$0x3F9C];
	s0 =	simm.s32 @p1 $0x1  }
0x15: {  	[smem:$0x3FB9] =	sst s0;
	s0 =	simm.s32 @!p2 $0x0  }
0x16: {  	s3 =	sld [smem:$0x3FDB];
	s0 =	simm.s32 @p2 $0x1  }
0x17: {  	s4 =	simm.s32 $0x1BF5;
	[smem:$0x3FBB] =	sst s0  }
0x18: {  	s0 =	sld [smem:$0x3F9E];
	_ =	swait.ge [sflag:s4], $0x0  }
0x19: {  	s7 =	sld [smem:$0x3F9F]  }
0x1a: {  	s8 =	sadd.s32 $0xFFFFE003, lr  }
0x1b: {  	s9 =	sadd.s32 $0xFFFFFEF7, lr;
	s5 =	simm.s32 $0xFFFFFFFF;
	p2 =	slt.u32 s8, $0xFFFFF086  }
0x1c: {  	p1 =	slt.u32 s9, $0xF7A;
	s5 =	simm.s32 @!p2 $0x0  }
0x1d: {  	s5 =	simm.s32 @p1 $0x1;
	p0 =	seq.s32 s7, s2  }
0x1e: {  	s7 =	smul.u32 @!p0 $0xF7A, s2;
	p2 =	seq.s32 @!p0 s5, $0x0  }
0x1f: {  	s9 =	smul.u32 $0xF7A, s1;
	s8 =	simm.s32 @!p0 $0x1BF5;
	p2 =	por !p2, p0  }
0x20: {  	[sflag:s8] =	ssyncset.s32 @!p0 $0xFFFFF086;
	s6 =	sadd.s32 @!p0 s3, s7;
	s7 =	simm.s32 @!p0 $0x108  }
0x21: {  	s3 =	sadd.s32 s3, s9;
	s6 =	sadd.s32 @!p0 $0x88, s6;
	s7 =	simm.s32 @p2 $0x1082  }
0x22: {  	[simem:s7], [sflag:s8] =	dma.local @!p0 [hbm:s6], $0xF7A  }
0x23: {  	s9 =	sor.u32 $0xD0000000, s2;
	s6 =	simm.s32 $0x108;
	_ =	swait.ge @!p0 [sflag:s8], $0x0  }
0x24: {  	s3 =	sadd.s32 $0x88, s3;
	s6 =	simm.s32 @!p1 $0x1082;
	[sflag:s4] =	ssyncset.s32 $0xFFFFF086  }
0x25: {  	[simem:s6], [sflag:s4] =	dma.local [hbm:s3], $0xF7A  }
0x26: {  	[smem:$0x3F9F] =	sst s1;
	(tag) =	ssettag s2;
	_ =	strace s9  }
0x27: {  	s1 =	sld [smem:$0x3FAF]  }
0x28: {  	s2 =	sld [smem:$0x3FB0]  }
0x29: {  	s4 =	sld [smem:$0x3FB2]  }
0x2a: {  	p0 =	seq.s32 s5, $0x0;
	s5 =	sld [smem:$0x3FB3]  }
0x2b: {  	s6 =	sld [smem:$0x3FB4]  }
0x2c: {  	s7 =	sld [smem:$0x3FB5]  }
0x2d: {  	s3 =	simm.s32 $0x108;
	s8 =	sld [smem:$0x3FB6]  }
0x2e: {  	s3 =	simm.s32 @!p0 $0x1082;
	s9 =	sld [smem:$0x3FB7]  }
0x2f: {  	lr =	sadd.s32 s0, s3;
	s0 =	sld [smem:$0x3FAE]  }
0x30: {  	s3 =	sld [smem:$0x3FB1]  }
0x31: {  	[smem:$0x3FBA] =	sst s10  }
0x32: {  	s10 =	sld [smem:$0x3FB8];
	_ =	sdelay $0x3  }
0x33: {  	p0 =	seq.s32 s10, $0x1;
	s10 =	sld [smem:$0x3FBA];
	_ =	sdelay $0x3  }
0x34: {  	[smem:$0x3FBA] =	sst s10  }
0x35: {  	s10 =	sld [smem:$0x3FB9];
	_ =	sdelay $0x3  }
0x36: {  	p1 =	seq.s32 s10, $0x1;
	s10 =	sld [smem:$0x3FBA];
	_ =	sdelay $0x3  }
0x37: {  	[smem:$0x3FBA] =	sst s10  }
0x38: {  	s10 =	sld [smem:$0x3FBB]  }
0x39: {  	_ = 	snop;
	(pc) =	sbr.ind lr, $3  }
0x3a: {  	_ = 	snop  }
0x3b: {  	_ = 	snop  }
0x3c: {  	p2 =	seq.s32 s10, $0x1;
	s10 =	sld [smem:$0x3FBA]  }
0x3d: {  	_ =	shalt  }
0x3e: {  	_ =	shalt  }
0x3f: {  	_ =	shalt  }
0x40: {  	_ =	shalt  }
0x41: {  	_ =	shalt  }
0x42: {  	_ =	shalt  }
0x43: {  	_ =	shalt  }
0x44: {  	_ =	shalt  }
0x45: {  	_ =	shalt  }
0x46: {  	_ =	shalt  }
0x47: {  	_ =	shalt  }
0x48: {  	_ =	shalt  }
0x49: {  	_ =	shalt  }
0x4a: {  	_ =	shalt  }
0x4b: {  	_ =	shalt  }
0x4c: {  	_ =	shalt  }
0x4d: {  	_ =	shalt  }
0x4e: {  	_ =	shalt  }
0x4f: {  	_ =	shalt  }
0x50: {  	_ =	shalt  }
0x51: {  	_ =	shalt  }
0x52: {  	_ =	shalt  }
0x53: {  	_ =	shalt  }
0x54: {  	_ =	shalt  }
0x55: {  	_ =	shalt  }
0x56: {  	_ =	shalt  }
0x57: {  	_ =	shalt  }
0x58: {  	_ =	shalt  }
0x59: {  	_ =	shalt  }
0x5a: {  	_ =	shalt  }
0x5b: {  	_ =	shalt  }
0x5c: {  	_ =	shalt  }
0x5d: {  	_ =	shalt  }
0x5e: {  	_ =	shalt  }
0x5f: {  	_ =	shalt  }
0x60: {  	_ =	shalt  }
0x61: {  	_ =	shalt  }
0x62: {  	_ =	shalt  }
0x63: {  	_ =	shalt  }
0x64: {  	_ =	shalt  }
0x65: {  	_ =	shalt  }
0x66: {  	_ =	shalt  }
0x67: {  	_ =	shalt  }
0x68: {  	_ =	shalt  }
0x69: {  	_ =	shalt  }
0x6a: {  	_ =	shalt  }
0x6b: {  	_ =	shalt  }
0x6c: {  	_ =	shalt  }
0x6d: {  	_ =	shalt  }
0x6e: {  	_ =	shalt  }
0x6f: {  	_ =	shalt  }
0x70: {  	_ =	shalt  }
0x71: {  	_ =	shalt  }
0x72: {  	_ =	shalt  }
0x73: {  	_ =	shalt  }
0x74: {  	_ =	shalt  }
0x75: {  	_ =	shalt  }
0x76: {  	_ =	shalt  }
0x77: {  	_ =	shalt  }
0x78: {  	_ =	shalt  }
0x79: {  	_ =	shalt  }
0x7a: {  	_ =	shalt  }
0x7b: {  	_ =	shalt  }
0x7c: {  	_ =	shalt  }
0x7d: {  	_ =	shalt  }
0x7e: {  	_ =	shalt  }
0x7f: {  	_ =	shalt  }
0x80: {  	_ =	shalt  }
0x81: {  	_ =	shalt  }
0x82: {  	_ =	shalt  }
0x83: {  	_ =	shalt  }
0x84: {  	_ =	shalt  }
0x85: {  	_ =	shalt  }
0x86: {  	_ =	shalt  }
0x87: {  	_ =	shalt  }
.Lfunc_end0:
.L_simem_size_0:
called_computation_lowered:
.L_overlay_start_0:
0x88: {  	s2 =	sld [smem:$0x3FD9]  }
0x89: {  	s3 =	sld [smem:$0x3FFE];
	_ =	sdelay $0x1  }
0x8a: {  	s1 =	srdreg.scid  }
0x8b: {  	s0 =	sand.u32 $0x1, s1  }
0x8c: {  	s17 =	sshll.u32 s0, $0xA;
	s2 =	sadd.s32 s3, s2  }
0x8d: {  	s2 =	sadd.s32 s2, s17  }
0x8e: {  	[smem:$0x3FC6] =	sst s2  }
0x8f: {  	_ = 	snop  }
0x90: {  	s2 =	sld [smem:$0x3FC8]  }
0x91: {  	s18 =	sld [smem:$0x3FD0];
	(tm) =	ssettm $0x1  }
0x92: {  	s4 =	sld [smem:$0x3FFB];
	_ =	sdelay $0x3  }
0x93: {  	_ =	strace s4  }
0x94: {  	s4 =	sld [smem:$0x3FFC];
	_ =	sdelay $0x3  }
0x95: {  	_ =	strace s4  }
0x96: {  	s4 =	sld [smem:$0x3FFD];
	_ =	sdelay $0x3  }
0x97: {  	_ =	strace s4  }
0x98: {  	_ =	strace $0x8FFFFFFF  }
0x99: {  	s19 =	sld [smem:$0x3FDB];
	_ =	sdelay $0x1  }
0x9a: {  	s5 =	simm.s32 $_scs_section_size  }
0x9b: {  	s6 =	simm.s32 $_size__tile_overlayer_lowered;
	s7 =	simm.s32 $_tile_overlayer_lowered  }
0x9c: {  	s22 =	simm.s32 $0x1BFF;
	s21 =	sshll.u32 s7, $0x1;
	s4 =	sadd.s32 s5, s19  }
0x9d: {  	s8 =	simm.s32 $0x0;
	s20 =	sshll.u32 s6, $0x1;
	s6 =	sadd.s32 s21, s4  }
0x9e: {  	[timem:s8], [sflag:s22] =	dma.local [hbm:s6], s20  }
0x9f: {  	_ =	swait.ge [sflag:s22], s20  }
0xa0: {  	s5 =	ssub.s32 $0x0, s20;
	[sflag:s22] =	ssyncset.done $0x0  }
0xa1: {  	[sflag:s22] =	ssyncadd.s32 s5;
	_ =	sdelay $0x1  }
0xa2: {  	s23 =	simm.s32 $0x1B8B  }
0xa3: {  	_ =	swait.ge [sflag:s23], $0x1  }
0xa4: {  	[sflag:s23] =	ssyncset.done $0x0  }
0xa5: {  	s25 =	simm.s32 $0x1B8E;
	s24 =	sld [smem:$0x3FFE];
	[sflag:s23] =	ssyncadd.s32 $0xFFFFFFFF  }
0xa6: {  	s26 =	simm.s32 $execute0_lowered;
	[smem:$0x3FD2] =	sst s25  }
0xa7: {  	s6 =	sshll.u32 s26, $0x1;
	_ =	strace $0x80000046;
	[dreg:$0x1] =	wrdreg $0xFFFFFFFF  }
0xa8: {  	s28 =	simm.s32 $_size_execute0_lowered;
	s4 =	sadd.s32 s4, s6;
	[dreg:$0x0] =	wrdreg $0x0  }
0xa9: {  	s6 =	sshll.u32 s28, $0x1;
	[dreg:$0x2] =	wrdreg s4  }
0xaa: {  	[dreg:$0x3] =	wrdreg s6  }
0xab: {  	[dreg:$0x4] =	wrdreg $0xC0  }
0xac: {  	_ =	task [dreg:s8], $0x5FFFF  }
0xad: {  	[dreg:$0x1] =	wrdreg $0xFFFFFFFF  }
0xae: {  	[dreg:$0x0] =	wrdreg $0x60  }
0xaf: {  	[dreg:$0x2] =	wrdreg s24  }
0xb0: {  	[dreg:$0x3] =	wrdreg s2  }
0xb1: {  	[dreg:$0x4] =	wrdreg s18  }
0xb2: {  	[dreg:$0x5] =	wrdreg $0x164000  }
0xb3: {  	[dreg:$0x6] =	wrdreg $0x9  }
0xb4: {  	_ =	task.clear_ibuf [dreg:s8], $0x7FFFF;
	_ =	strace $0x90000046  }
0xb5: {  	s29 =	simm.s32 $0x9;
	_ =	strace $0x80000048  }
0xb6: {  	_ =	swait.ge [sflag:s29], $0x1  }
0xb7: {  	[sflag:s29] =	ssyncadd.s32 $0xFFFFFFFF  }
0xb8: {  	_ =	strace $0x90000048  }
0xb9: {  	_ =	sfence  }
0xba: {  	s30 =	sld [smem:$0x0];
	_ =	sdelay $0x2  }
0xbb: {  	s31 =	sshll.u32 s1, $0xD;
	s1 =	sshrl.u32 s1, $0x2  }
0xbc: {  	s3 =	sand.u32 $0x4000, s31;
	s1 =	sadd.s32 s1, s30  }
0xbd: {  	s0 =	sor.u32 s3, s0;
	s1 =	sshll.u32 s1, $0x11  }
0xbe: {  	s0 =	sor.u32 s1, s0  }
0xbf: {  	s0 =	sadd.s32 $0x8F2B, s0  }
0xc0: {  	[sflag:s0] =	ssyncadd.remote.s32 $0x1  }
0xc1: {  	_ =	sfence.sel $0xFFFF  }
0xc2: {  	[dreg:$0x0] =	wrdreg $0xFFFFFFFF;
	(pc) =	sbr.abs _section_cstart, $3  }
0xc3: {  	[dreg:$0x1] =	wrdreg $0xFFFFFFFF  }
0xc4: {  	_ =	task.clear_ibuf [dreg:s8], $0x2FFFF;
	_ =	strace $0x9FFFFFFF  }
0xc5: {  	(tm) =	ssettm $0x7FFFFFFF  }
tec
execute0_lowered:
.L_overlay_start_1:
0x0: {  	(tag) =	ssettag $0x1  }
0x1: {  	s0 =	rddreg [dreg:$0x0]  }
0x2: {  	s1 =	rddreg [dreg:$0x1]  }
0x3: {  	s2 =	rddreg [dreg:$0x2];
	s3 =	srdreg.scid  }
0x4: {  	s12 =	stileid.u32;
	s4 =	rddreg [dreg:$0x3]  }
0x5: {  	s6 =	simm.s32 $0x0;
	s28 =	simm.s32 $0x2;
	s11 =	smul.u32 $0x640000, s12  }
0x6: {  	s29 =	simm.s32 $0x6;
	s3 =	sand.u32 $0x1, s3;
	s22 =	smul.u32 $0xC8000, s12  }
0x7: {  	s31 =	simm.s32 $0x3;
	s5 =	sshll.u32 s12, $0x1;
	s17 =	smul.u32 $0x320000, s3  }
0x8: {  	s5 =	sor.u32 s3, s5;
	s7 =	ssub.s32 $0x2, s3;
	s3 =	smul.u32 $0x64000, s3  }
0x9: {  	s30 =	simm.s32 $0x0;
	[smem:$0x7FF] =	sst s6;
	s15 =	smul.u32 $0x6400, s5  }
0xa: {  	s16 =	sshll.u32 s12, $0xF;
	_ =	strace $0x80000047;
	s9 =	smul.u32 $0x64000, s5  }
0xb: {  	s8 =	sshrl.u32 s7, $0x1;
	s10 =	smul.u32 $0x320000, s5;
	s6 =	sshrl.u32 s15, $0x3  }
0xc: {  	s5 =	sadd.s32 s16, s4;
	s16 =	simm.s32 $0x9;
	s0 =	sadd.s32 s6, s0  }
0xd: {  	s8 =	ssub.s32 s7, s8;
	s6 =	sadd.s32 s2, s9;
	s0 =	sadd.s32 $0x400, s0  }
0xe: {  	s7 =	sadd.s32 $0x4000, s5;
	s18 =	sadd.s32 $0x800, s6;
	[dreg:$0x7] =	wrdreg s0  }
0xf: {  	s21 =	sshrl.u32 s10, $0x3;
	s19 =	sadd.s32 $0x1000, s6;
	[dreg:$0x8] =	wrdreg s18  }
0x10: {  	s4 =	sadd.s32 s2, s21;
	s20 =	sadd.s32 $0x1800, s6;
	[dreg:$0x9] =	wrdreg s19  }
0x11: {  	s15 =	smax.u32 s8, $0x1;
	s23 =	sadd.s32 $0x62000, s4;
	[dreg:$0xa] =	wrdreg s20  }
0x12: {  	s21 =	simm.s32 $0xE400;
	s24 =	sadd.s32 $0x62800, s4;
	[dreg:$0xb] =	wrdreg s23  }
0x13: {  	s25 =	sadd.s32 $0x63000, s4;
	s14 =	sadd.s32 $0x63800, s4;
	[dreg:$0xc] =	wrdreg s24  }
0x14: {  	s0 =	sadd.s32 s17, s11;
	[dreg:$0xd] =	wrdreg s25;
	s17 =	simm.s32 $0x80  }
0x15: {  	s18 =	simm.s32 $0x6400;
	s19 =	simm.s32 $0xA400;
	s0 =	sor.u32 $0x10000, s0  }
0x16: {  	s23 =	simm.s32 $0x12400;
	s24 =	simm.s32 $0x1;
	s0 =	sshrl.u32 s0, $0x3  }
0x17: {  	s25 =	simm.s32 $0x5;
	s0 =	sadd.s32 s0, s2;
	s2 =	sadd.s32 s22, s2  }
0x18: {  	s20 =	simm.s32 $0x4;
	[dreg:$0x5] =	wrdreg s0;
	s26 =	sadd.s32 s3, s2  }
0x19: {  	s22 =	simm.s32 $0x8;
	s2 =	simm.s32 $0x7;
	[dreg:$0x6] =	wrdreg s26  }
.LBB2_1:
0x1a: {  	s0 =	simm.s32 $0x0;
	s3 =	rddreg [dreg:$0x7]  }
0x1b: {  	[tilespmem:s0], [sflag:$0x9] =	stream.linear.gather [hbm4b:s3+s0], $0x6400, $0x38;
	[tilespmem:$0x1E400] =	vst v63  }
0x1c: {  	_ =	swait.ge [sflag:s16], $0x6400  }
0x1d: {  	[sflag:s16] =	ssyncset.done $0x0  }
0x1e: {  	[sflag:s16] =	ssyncadd.s32 $0xFFFF9C00  }
0x1f: {  	[tilespmem:s18], [sflag:$0x1] =	stream.indirect.gather [hbm4b:s1+s17], $0x80, s0, s17, $0xb8;
	[tilespmem:$0x1E400] =	vst v63  }
0x20: {  	_ = 	snop  }
0x21: {  	[tilespmem:s19], [sflag:$0x2] =	stream.indirect.gather [hbm4b:s1+s17], $0x80, s17, s17, $0xb8;
	[tilespmem:$0x1E400] =	vst v63  }
0x22: {  	s10 =	simm.s32 $0x100  }
0x23: {  	[tilespmem:s21], [sflag:$0x3] =	stream.indirect.gather [hbm4b:s1+s17], $0x80, s10, s17, $0xb8;
	[tilespmem:$0x1E400] =	vst v63  }
0x24: {  	s11 =	simm.s32 $0x180  }
0x25: {  	[tilespmem:s23], [sflag:$0x4] =	stream.indirect.gather [hbm4b:s1+s17], $0x80, s11, s17, $0xb8;
	[tilespmem:$0x1E400] =	vst v63  }
0x26: {  	_ =	swait.ge [sflag:s24], $0x4000  }
0x27: {  	[sflag:s24] =	ssyncset.done $0x0  }
0x28: {  	[sflag:s24] =	ssyncadd.s32 $0xFFFFC000  }
0x29: {  	[spmem:s5] =	stream.linear.scatter [tilespmem:s18], [sflag:$0x5], $0x4000, $0x38;
	[tilespmem:$0x1E400] =	vst v63  }
0x2a: {  	s12 =	stileid.u32;
	_ =	swait.ge [sflag:s25], $0x4000  }
0x2b: {  	s8 =	simm.s32 $0x200;
	s4 =	sshll.u32 s12, $0x6;
	[sflag:s25] =	ssyncset.done $0x0  }
0x2c: {  	s3 =	sshrl.u32 s5, $0x3;
	s0 =	sor.u32 $0x1C07, s4;
	[sflag:s25] =	ssyncadd.s32 $0xFFFFC000  }
0x2d: {  	[hbm:s6], [sflag:s0] =	dma.local [spmem:s3], $0x800  }
0x2e: {  	[tilespmem:s18], [sflag:$0x1] =	stream.indirect.gather [hbm4b:s1+s17], $0x80, s8, s17, $0xb8;
	[tilespmem:$0x1E400] =	vst v63  }
0x2f: {  	_ =	swait.ge [sflag:s28], $0x4000  }
0x30: {  	[sflag:s28] =	ssyncset.done $0x0  }
0x31: {  	[sflag:s28] =	ssyncadd.s32 $0xFFFFC000  }
0x32: {  	[spmem:s7] =	stream.linear.scatter [tilespmem:s19], [sflag:$0x6], $0x4000, $0x38;
	[tilespmem:$0x1E400] =	vst v63  }
0x33: {  	_ =	swait.ge [sflag:s29], $0x4000  }
0x34: {  	s9 =	simm.s32 $0x280;
	s26 =	sor.u32 $0x1C08, s4;
	[sflag:s29] =	ssyncset.done $0x0  }
0x35: {  	s4 =	sshrl.u32 s7, $0x3;
	s13 =	rddreg [dreg:$0x8];
	[sflag:s29] =	ssyncadd.s32 $0xFFFFC000  }
0x36: {  	[hbm:s13], [sflag:s26] =	dma.local [spmem:s4], $0x800  }
0x37: {  	[tilespmem:s19], [sflag:$0x2] =	stream.indirect.gather [hbm4b:s1+s17], $0x80, s9, s17, $0xb8;
	[tilespmem:$0x1E400] =	vst v63  }
0x38: {  	_ =	swait.ge [sflag:s31], $0x4000  }
0x39: {  	[sflag:s31] =	ssyncset.done $0x0  }
0x3a: {  	[sflag:s31] =	ssyncadd.s32 $0xFFFFC000  }
0x3b: {  	_ =	swait.ge [sflag:s2], $0x800  }
0x3c: {  	[sflag:s2] =	ssyncset.done $0x0  }
0x3d: {  	[sflag:s2] =	ssyncadd.s32 $0xFFFFF800  }
0x3e: {  	[spmem:s5] =	stream.linear.scatter [tilespmem:s21], [sflag:$0x5], $0x4000, $0x38;
	[tilespmem:$0x1E400] =	vst v63  }
0x3f: {  	_ =	swait.ge [sflag:s25], $0x4000  }
0x40: {  	[sflag:s25] =	ssyncset.done $0x0  }
0x41: {  	s11 =	simm.s32 $0x300;
	s10 =	rddreg [dreg:$0x9];
	[sflag:s25] =	ssyncadd.s32 $0xFFFFC000  }
0x42: {  	[hbm:s10], [sflag:s0] =	dma.local [spmem:s3], $0x800  }
0x43: {  	[tilespmem:s21], [sflag:$0x3] =	stream.indirect.gather [hbm4b:s1+s17], $0x80, s11, s17, $0xb8;
	[tilespmem:$0x1E400] =	vst v63  }
0x44: {  	_ =	swait.ge [sflag:s20], $0x4000  }
0x45: {  	[sflag:s20] =	ssyncset.done $0x0  }
0x46: {  	[sflag:s20] =	ssyncadd.s32 $0xFFFFC000  }
0x47: {  	_ =	swait.ge [sflag:s22], $0x800  }
0x48: {  	[sflag:s22] =	ssyncset.done $0x0  }
0x49: {  	[sflag:s22] =	ssyncadd.s32 $0xFFFFF800  }
0x4a: {  	[spmem:s7] =	stream.linear.scatter [tilespmem:s23], [sflag:$0x6], $0x4000, $0x38;
	[tilespmem:$0x1E400] =	vst v63  }
0x4b: {  	_ =	swait.ge [sflag:s29], $0x4000  }
0x4c: {  	[sflag:s29] =	ssyncset.done $0x0  }
0x4d: {  	s13 =	simm.s32 $0x380;
	s12 =	rddreg [dreg:$0xa];
	[sflag:s29] =	ssyncadd.s32 $0xFFFFC000  }
0x4e: {  	[hbm:s12], [sflag:s26] =	dma.local [spmem:s4], $0x800  }
0x4f: {  	[tilespmem:s23], [sflag:$0x4] =	stream.indirect.gather [hbm4b:s1+s17], $0x80, s13, s17, $0xb8;
	[tilespmem:$0x1E400] =	vst v63  }
0x50: {  	_ =	swait.ge [sflag:s24], $0x4000  }
0x51: {  	[sflag:s24] =	ssyncset.done $0x0  }
0x52: {  	[sflag:s24] =	ssyncadd.s32 $0xFFFFC000  }
0x53: {  	_ =	swait.ge [sflag:s2], $0x800  }
0x54: {  	[sflag:s2] =	ssyncset.done $0x0  }
0x55: {  	[sflag:s2] =	ssyncadd.s32 $0xFFFFF800  }
0x56: {  	[spmem:s5] =	stream.linear.scatter [tilespmem:s18], [sflag:$0x5], $0x4000, $0x38;
	[tilespmem:$0x1E400] =	vst v63  }
0x57: {  	_ =	swait.ge [sflag:s25], $0x4000  }
0x58: {  	s9 =	rddreg [dreg:$0x5];
	[sflag:s25] =	ssyncset.done $0x0  }
0x59: {  	[sflag:s25] =	ssyncadd.s32 $0xFFFFC000;
	s8 =	sadd.s32 $0x0, s9;
	s9 =	simm.s32 $0x400  }
0x5a: {  	[hbm:s8], [sflag:s0] =	dma.local [spmem:s3], $0x800  }
0x5b: {  	[tilespmem:s18], [sflag:$0x1] =	stream.indirect.gather [hbm4b:s1+s17], $0x80, s9, s17, $0xb8;
	[tilespmem:$0x1E400] =	vst v63  }
0x5c: {  	_ =	swait.ge [sflag:s28], $0x4000  }
0x5d: {  	[sflag:s28] =	ssyncset.done $0x0  }
0x5e: {  	[sflag:s28] =	ssyncadd.s32 $0xFFFFC000  }
0x5f: {  	_ =	swait.ge [sflag:s22], $0x800  }
0x60: {  	[sflag:s22] =	ssyncset.done $0x0  }
0x61: {  	[sflag:s22] =	ssyncadd.s32 $0xFFFFF800  }
0x62: {  	[spmem:s7] =	stream.linear.scatter [tilespmem:s19], [sflag:$0x6], $0x4000, $0x38;
	[tilespmem:$0x1E400] =	vst v63  }
0x63: {  	_ =	swait.ge [sflag:s29], $0x4000  }
0x64: {  	s10 =	rddreg [dreg:$0x6]  }
0x65: {  	[sflag:s29] =	ssyncset.done $0x0;
	s8 =	sadd.s32 $0x0, s10  }
0x66: {  	[sflag:s29] =	ssyncadd.s32 $0xFFFFC000;
	s10 =	simm.s32 $0x480;
	s11 =	sadd.s32 $0x2800, s8  }
0x67: {  	[hbm:s11], [sflag:s26] =	dma.local [spmem:s4], $0x800  }
0x68: {  	[tilespmem:s19], [sflag:$0x2] =	stream.indirect.gather [hbm4b:s1+s17], $0x80, s10, s17, $0xb8;
	[tilespmem:$0x1E400] =	vst v63  }
0x69: {  	_ =	swait.ge [sflag:s31], $0x4000  }
0x6a: {  	[sflag:s31] =	ssyncset.done $0x0  }
0x6b: {  	[sflag:s31] =	ssyncadd.s32 $0xFFFFC000  }
0x6c: {  	_ =	swait.ge [sflag:s2], $0x800  }
0x6d: {  	[sflag:s2] =	ssyncset.done $0x0  }
0x6e: {  	[sflag:s2] =	ssyncadd.s32 $0xFFFFF800  }
0x6f: {  	[spmem:s5] =	stream.linear.scatter [tilespmem:s21], [sflag:$0x5], $0x4000, $0x38;
	[tilespmem:$0x1E400] =	vst v63  }
0x70: {  	_ =	swait.ge [sflag:s25], $0x4000  }
0x71: {  	[sflag:s25] =	ssyncset.done $0x0  }
0x72: {  	s13 =	simm.s32 $0x500;
	s12 =	sadd.s32 $0x3000, s8;
	[sflag:s25] =	ssyncadd.s32 $0xFFFFC000  }
0x73: {  	[hbm:s12], [sflag:s0] =	dma.local [spmem:s3], $0x800  }
0x74: {  	[tilespmem:s21], [sflag:$0x3] =	stream.indirect.gather [hbm4b:s1+s17], $0x80, s13, s17, $0xb8;
	[tilespmem:$0x1E400] =	vst v63  }
0x75: {  	_ =	swait.ge [sflag:s20], $0x4000  }
0x76: {  	[sflag:s20] =	ssyncset.done $0x0  }
0x77: {  	[sflag:s20] =	ssyncadd.s32 $0xFFFFC000  }
0x78: {  	_ =	swait.ge [sflag:s22], $0x800  }
0x79: {  	[sflag:s22] =	ssyncset.done $0x0  }
0x7a: {  	[sflag:s22] =	ssyncadd.s32 $0xFFFFF800  }
0x7b: {  	[spmem:s7] =	stream.linear.scatter [tilespmem:s23], [sflag:$0x6], $0x4000, $0x38;
	[tilespmem:$0x1E400] =	vst v63  }
0x7c: {  	_ =	swait.ge [sflag:s29], $0x4000  }
0x7d: {  	[sflag:s29] =	ssyncset.done $0x0  }
0x7e: {  	s8 =	sadd.s32 $0x3800, s8;
	[sflag:s29] =	ssyncadd.s32 $0xFFFFC000  }
0x7f: {  	[hbm:s8], [sflag:s26] =	dma.local [spmem:s4], $0x800  }
0x80: {  	s9 =	simm.s32 $0x780;
	s10 =	simm.s32 $0x580;
	s8 =	simm.s32 $0x2000  }
.LBB2_2:
0x81: {  	[tilespmem:s23], [sflag:$0x4] =	stream.indirect.gather [hbm4b:s1+s17], $0x80, s10, s17, $0xb8;
	[tilespmem:$0x1E400] =	vst v63  }
0x82: {  	_ =	swait.ge [sflag:s24], $0x4000  }
0x83: {  	[sflag:s24] =	ssyncset.done $0x0  }
0x84: {  	[sflag:s24] =	ssyncadd.s32 $0xFFFFC000  }
0x85: {  	_ =	swait.ge [sflag:s2], $0x800  }
0x86: {  	[sflag:s2] =	ssyncset.done $0x0  }
0x87: {  	[sflag:s2] =	ssyncadd.s32 $0xFFFFF800  }
0x88: {  	[spmem:s5] =	stream.linear.scatter [tilespmem:s18], [sflag:$0x5], $0x4000, $0x38;
	[tilespmem:$0x1E400] =	vst v63  }
0x89: {  	_ =	swait.ge [sflag:s25], $0x4000  }
0x8a: {  	s11 =	smov.u32 s8;
	[sflag:s25] =	ssyncset.done $0x0;
	s12 =	rddreg [dreg:$0x5]  }
0x8b: {  	s13 =	sadd.s32 $0xFFFFFE80, s9;
	[sflag:s25] =	ssyncadd.s32 $0xFFFFC000;
	s12 =	sadd.s32 s11, s12  }
0x8c: {  	[hbm:s12], [sflag:s0] =	dma.local [spmem:s3], $0x800  }
0x8d: {  	[tilespmem:s18], [sflag:$0x1] =	stream.indirect.gather [hbm4b:s1+s17], $0x80, s13, s17, $0xb8;
	[tilespmem:$0x1E400] =	vst v63  }
0x8e: {  	_ =	swait.ge [sflag:s28], $0x4000  }
0x8f: {  	[sflag:s28] =	ssyncset.done $0x0  }
0x90: {  	[sflag:s28] =	ssyncadd.s32 $0xFFFFC000  }
0x91: {  	_ =	swait.ge [sflag:s22], $0x800  }
0x92: {  	[sflag:s22] =	ssyncset.done $0x0  }
0x93: {  	[sflag:s22] =	ssyncadd.s32 $0xFFFFF800  }
0x94: {  	[spmem:s7] =	stream.linear.scatter [tilespmem:s19], [sflag:$0x6], $0x4000, $0x38;
	[tilespmem:$0x1E400] =	vst v63  }
0x95: {  	_ =	swait.ge [sflag:s29], $0x4000  }
0x96: {  	s13 =	rddreg [dreg:$0x6]  }
0x97: {  	[sflag:s29] =	ssyncset.done $0x0;
	s11 =	sadd.s32 s11, s13  }
0x98: {  	[sflag:s29] =	ssyncadd.s32 $0xFFFFC000;
	s13 =	sadd.s32 $0xFFFFFF00, s9;
	s12 =	sadd.s32 $0x2800, s11  }
0x99: {  	[hbm:s12], [sflag:s26] =	dma.local [spmem:s4], $0x800  }
0x9a: {  	[tilespmem:s19], [sflag:$0x2] =	stream.indirect.gather [hbm4b:s1+s17], $0x80, s13, s17, $0xb8;
	[tilespmem:$0x1E400] =	vst v63  }
0x9b: {  	_ =	swait.ge [sflag:s31], $0x4000  }
0x9c: {  	[sflag:s31] =	ssyncset.done $0x0  }
0x9d: {  	[sflag:s31] =	ssyncadd.s32 $0xFFFFC000  }
0x9e: {  	_ =	swait.ge [sflag:s2], $0x800  }
0x9f: {  	[sflag:s2] =	ssyncset.done $0x0  }
0xa0: {  	[sflag:s2] =	ssyncadd.s32 $0xFFFFF800  }
0xa1: {  	[spmem:s5] =	stream.linear.scatter [tilespmem:s21], [sflag:$0x5], $0x4000, $0x38;
	[tilespmem:$0x1E400] =	vst v63  }
0xa2: {  	_ =	swait.ge [sflag:s25], $0x4000  }
0xa3: {  	[sflag:s25] =	ssyncset.done $0x0  }
0xa4: {  	s12 =	sadd.s32 $0x3000, s11;
	s13 =	sadd.s32 $0xFFFFFF80, s9;
	[sflag:s25] =	ssyncadd.s32 $0xFFFFC000  }
0xa5: {  	[hbm:s12], [sflag:s0] =	dma.local [spmem:s3], $0x800  }
0xa6: {  	[tilespmem:s21], [sflag:$0x3] =	stream.indirect.gather [hbm4b:s1+s17], $0x80, s13, s17, $0xb8;
	[tilespmem:$0x1E400] =	vst v63  }
0xa7: {  	_ =	swait.ge [sflag:s20], $0x4000  }
0xa8: {  	[sflag:s20] =	ssyncset.done $0x0  }
0xa9: {  	[sflag:s20] =	ssyncadd.s32 $0xFFFFC000  }
0xaa: {  	_ =	swait.ge [sflag:s22], $0x800  }
0xab: {  	[sflag:s22] =	ssyncset.done $0x0  }
0xac: {  	p0 =	sne.s32 s8, $0x5E000;
	[sflag:s22] =	ssyncadd.s32 $0xFFFFF800  }
0xad: {  	[spmem:s7] =	stream.linear.scatter [tilespmem:s23], [sflag:$0x6], $0x4000, $0x38;
	[tilespmem:$0x1E400] =	vst v63  }
.Ltmp0:
0xae: {  	_ = 	snop;
	(pc) =	sbr.rel @p0 .LBB2_2-.Ltmp0, $4  }
0xaf: {  	_ =	swait.ge [sflag:s29], $0x4000  }
0xb0: {  	s8 =	sadd.s32 $0x2000, s8;
	s10 =	smov.u32 s9;
	[sflag:s29] =	ssyncset.done $0x0  }
0xb1: {  	s11 =	sadd.s32 $0x3800, s11;
	s9 =	sadd.s32 $0x200, s9;
	[sflag:s29] =	ssyncadd.s32 $0xFFFFC000  }
0xb2: {  	[hbm:s11], [sflag:s26] =	dma.local [spmem:s4], $0x800  }
0xb3: {  	[tilespmem:s23], [sflag:$0x4] =	stream.indirect.gather [hbm4b:s1+s17], $0x80, s10, s17, $0xb8;
	[tilespmem:$0x1E400] =	vst v63  }
0xb4: {  	_ =	swait.ge [sflag:s24], $0x4000  }
0xb5: {  	[sflag:s24] =	ssyncset.done $0x0  }
0xb6: {  	[sflag:s24] =	ssyncadd.s32 $0xFFFFC000  }
0xb7: {  	_ =	swait.ge [sflag:s2], $0x800  }
0xb8: {  	[sflag:s2] =	ssyncset.done $0x0  }
0xb9: {  	[sflag:s2] =	ssyncadd.s32 $0xFFFFF800  }
0xba: {  	[spmem:s5] =	stream.linear.scatter [tilespmem:s18], [sflag:$0x5], $0x4000, $0x38;
	[tilespmem:$0x1E400] =	vst v63  }
0xbb: {  	_ =	swait.ge [sflag:s25], $0x4000  }
0xbc: {  	[sflag:s25] =	ssyncset.done $0x0  }
0xbd: {  	s8 =	rddreg [dreg:$0xb];
	[sflag:s25] =	ssyncadd.s32 $0xFFFFC000  }
0xbe: {  	[hbm:s8], [sflag:s0] =	dma.local [spmem:s3], $0x800  }
0xbf: {  	_ =	swait.ge [sflag:s28], $0x4000  }
0xc0: {  	[sflag:s28] =	ssyncset.done $0x0  }
0xc1: {  	[sflag:s28] =	ssyncadd.s32 $0xFFFFC000  }
0xc2: {  	_ =	swait.ge [sflag:s22], $0x800  }
0xc3: {  	[sflag:s22] =	ssyncset.done $0x0  }
0xc4: {  	[sflag:s22] =	ssyncadd.s32 $0xFFFFF800  }
0xc5: {  	[spmem:s7] =	stream.linear.scatter [tilespmem:s19], [sflag:$0x6], $0x4000, $0x38;
	[tilespmem:$0x1E400] =	vst v63  }
0xc6: {  	_ =	swait.ge [sflag:s29], $0x4000  }
0xc7: {  	[sflag:s29] =	ssyncset.done $0x0  }
0xc8: {  	s12 =	rddreg [dreg:$0xc];
	[sflag:s29] =	ssyncadd.s32 $0xFFFFC000  }
0xc9: {  	[hbm:s12], [sflag:s26] =	dma.local [spmem:s4], $0x800  }
0xca: {  	_ =	swait.ge [sflag:s31], $0x4000  }
0xcb: {  	[sflag:s31] =	ssyncset.done $0x0  }
0xcc: {  	[sflag:s31] =	ssyncadd.s32 $0xFFFFC000  }
0xcd: {  	_ =	swait.ge [sflag:s2], $0x800  }
0xce: {  	[sflag:s2] =	ssyncset.done $0x0  }
0xcf: {  	[sflag:s2] =	ssyncadd.s32 $0xFFFFF800  }
0xd0: {  	[spmem:s5] =	stream.linear.scatter [tilespmem:s21], [sflag:$0x5], $0x4000, $0x38;
	[tilespmem:$0x1E400] =	vst v63  }
0xd1: {  	_ =	swait.ge [sflag:s25], $0x4000  }
0xd2: {  	[sflag:s25] =	ssyncset.done $0x0  }
0xd3: {  	s13 =	rddreg [dreg:$0xd];
	[sflag:s25] =	ssyncadd.s32 $0xFFFFC000  }
0xd4: {  	[hbm:s13], [sflag:s0] =	dma.local [spmem:s3], $0x800  }
0xd5: {  	_ =	swait.ge [sflag:s20], $0x4000  }
0xd6: {  	[sflag:s20] =	ssyncset.done $0x0  }
0xd7: {  	[sflag:s20] =	ssyncadd.s32 $0xFFFFC000  }
0xd8: {  	_ =	swait.ge [sflag:s22], $0x800  }
0xd9: {  	[sflag:s22] =	ssyncset.done $0x0  }
0xda: {  	[sflag:s22] =	ssyncadd.s32 $0xFFFFF800  }
0xdb: {  	[spmem:s7] =	stream.linear.scatter [tilespmem:s23], [sflag:$0x6], $0x4000, $0x38;
	[tilespmem:$0x1E400] =	vst v63  }
0xdc: {  	_ =	swait.ge [sflag:s29], $0x4000  }
0xdd: {  	[sflag:s29] =	ssyncset.done $0x0  }
0xde: {  	s30 =	sadd.s32 $0x1, s30;
	[sflag:s29] =	ssyncadd.s32 $0xFFFFC000  }
0xdf: {  	[hbm:s14], [sflag:s26] =	dma.local [spmem:s4], $0x800  }
0xe0: {  	p0 =	sne.s32 s30, s15;
	_ =	swait.ge [sflag:s2], $0x800  }
.Ltmp1:
0xe1: {  	[sflag:s2] =	ssyncset.done $0x0;
	(pc) =	sbr.rel @p0 .LBB2_1-.Ltmp1, $4  }
0xe2: {  	[sflag:s2] =	ssyncadd.s32 $0xFFFFF800  }
0xe3: {  	_ =	swait.ge [sflag:s22], $0x800  }
0xe4: {  	[sflag:s22] =	ssyncset.done $0x0  }
0xe5: {  	[sflag:s22] =	ssyncadd.s32 $0xFFFFF800  }
0xe6: {  	_ =	sfence.sel $0x180000  }
0xe7: {  	[bflag:$0x0] =	sbarrier.arrive $0xFFFF  }
0xe8: {  	_ =	strace $0x90000047  }
0xe9: {  	s0 =	stileid.u32;
	[bflag:$0x2] =	sbarrier.arrive $0xFFFF  }
0xea: {  	p0 =	sne.s32 s0, $0x0;
	s0 =	rddreg [dreg:$0x4]  }
0xeb: {  	s0 =	sadd.s32 @!p0 $0x100000, s0  }
0xec: {  	[sflag:s0] =	ssyncadd.tile.s32 @!p0 $0x1;
	_ =	shalt  }
.Lfunc_end2:
_tile_overlayer_lowered:
.L_overlay_start_2:
0xed: {  	(tag) =	ssettag $0x2  }
0xee: {  	s0 =	rddreg [dreg:$0x0];
	s2 =	stileid.u32  }
0xef: {  	s1 =	rddreg [dreg:$0x1];
	p0 =	sne.s32 s2, $0x0  }
0xf0: {  	s3 =	rddreg [dreg:$0x2];
	[bflag:$0x3] =	sbarrier.arrive $0xFFFF;
	s2 =	simm.s32 @!p0 $0x1C09  }
0xf1: {  	[timem:s3], [sflag:s2] =	dma.local @!p0 [hbm:s0], s1  }
0xf2: {  	s0 =	simm.s32 @!p0 $0x9  }
0xf3: {  	_ =	swait.ge @!p0 [sflag:s0], s1  }
0xf4: {  	s1 =	ssub.s32 @!p0 $0x0, s1;
	[sflag:s0] =	ssyncset.done @!p0 $0x0  }
0xf5: {  	[sflag:s0] =	ssyncadd.s32 @!p0 s1  }
0xf6: {  	[bflag:$0x3] =	sbarrier.arrive $0xFFFF  }
0xf7: {  	_ =	shalt  }

</sc_bundles>
